<compile_context>
chip_gen: v7x
topology: tpu7x:2x2x1
jax: 0.10.2.dev20260603
libtpu: 0.0.44.dev20260713+nightly
codegen_flags: <defaults>
</compile_context>

<pallas_src>
import functools

import jax
import jax.numpy as jnp
from jax import lax
from jax.experimental import pallas as pl
from jax.experimental.pallas import tpu as pltpu
from jax.experimental.pallas import tpu_sc as plsc

HIDDEN = 768
NC, NS = 2, 16
NW = NC * NS
B, S = 4, 2048
NTOK = B * S
TPW = NTOK // NW
C = 16
NCH = TPW // C
NSLOT = 8
BT = 2048
EPS = 1e-12

_mesh = plsc.VectorSubcoreMesh(
    core_axis_name="c", subcore_axis_name="s", num_cores=NC, num_subcores=NS)


@functools.partial(
    pl.kernel,
    out_type=jax.ShapeDtypeStruct((NTOK, HIDDEN), jnp.float32),
    mesh=_mesh,
    compiler_params=pltpu.CompilerParams(needs_layout_passes=False),
    scratch_types=[
        pltpu.VMEM((TPW,), jnp.int32),
        pltpu.VMEM((NSLOT, C, HIDDEN), jnp.float32),
    ] + [pltpu.SemaphoreType.DMA] * (2 * NSLOT),
)
def _sc_gather(ids_hbm, word_hbm, out_hbm, idx_v, rows_v, *sems):
    gsems = sems[:NSLOT]
    osems = sems[NSLOT:]
    wid = lax.axis_index("s") * NC + lax.axis_index("c")
    base = pl.multiple_of(wid * TPW, TPW)

    pltpu.sync_copy(ids_hbm.at[pl.ds(base, TPW)], idx_v)

    def gather(c, slot):
        return pltpu.make_async_copy(
            word_hbm.at[idx_v.at[pl.ds(c * C, C)]], rows_v.at[slot],
            gsems[slot])

    def put(c, slot):
        return pltpu.make_async_copy(
            rows_v.at[slot], out_hbm.at[pl.ds(base + c * C, C)], osems[slot])

    for c in range(NSLOT):
        gather(c, c).start()
    for c in range(NCH):
        slot = c % NSLOT
        gather(c, slot).wait()
        put(c, slot).start()
        nxt = c + NSLOT
        if nxt < NCH:
            put(c, slot).wait()
            gather(nxt, slot).start()
    for c in range(NCH - NSLOT, NCH):
        put(c, c % NSLOT).wait()


def _ln_body(w_ref, p_ref, t_ref, g_ref, b_ref, o_ref):
    v = w_ref[0] + p_ref[...] + t_ref[...]
    mean = jnp.mean(v, axis=-1, keepdims=True)
    d = v - mean
    var = jnp.mean(d * d, axis=-1, keepdims=True)
    o_ref[0] = d * lax.rsqrt(var + EPS) * g_ref[...] + b_ref[...]


def _tc_layernorm(rows3, pos, typ2, gamma2, beta2):
    grid = (S // BT, B)
    return pl.pallas_call(
        _ln_body,
        grid=grid,
        in_specs=[
            pl.BlockSpec((1, BT, HIDDEN), lambda j, b: (b, j, 0)),
            pl.BlockSpec((BT, HIDDEN), lambda j, b: (j, 0)),
            pl.BlockSpec((1, HIDDEN), lambda j, b: (0, 0)),
            pl.BlockSpec((1, HIDDEN), lambda j, b: (0, 0)),
            pl.BlockSpec((1, HIDDEN), lambda j, b: (0, 0)),
        ],
        out_specs=pl.BlockSpec((1, BT, HIDDEN), lambda j, b: (b, j, 0)),
        out_shape=jax.ShapeDtypeStruct((B, S, HIDDEN), jnp.float32),
        compiler_params=pltpu.CompilerParams(
            dimension_semantics=("arbitrary", "arbitrary")),
    )(rows3, pos, typ2, gamma2, beta2)


def kernel(input_ids, word_emb, type_emb, pos_emb, gamma, beta):
    b, s = input_ids.shape
    ids = input_ids.reshape(-1).astype(jnp.int32)
    rows = _sc_gather(ids, word_emb)
    return _tc_layernorm(rows.reshape(b, s, HIDDEN), pos_emb,
                         type_emb[0].reshape(1, HIDDEN),
                         gamma.reshape(1, HIDDEN), beta.reshape(1, HIDDEN))

# --- scband reference (transcript-rebuilt; emitter-appended) ---
"""Pipeline reference for scband-bert-embeddings-37271726194806 (READ-ONLY COPY).

The authoritative reference and input builder live on the scoring server;
editing this copy changes nothing except your own understanding.
"""

import jax, jax.numpy as jnp
import numpy as np

VOCAB = 100000
HIDDEN = 768
TYPE_VOCAB = 2
MAX_POS = 2048
EPS = 1e-12
B, S = 4, 2048


def setup_inputs(seed: int = 0) -> dict:
    key = jax.random.key(seed)
    ks = jax.random.split(key, 6)
    input_ids = jax.random.randint(ks[0], (B, S), 0, VOCAB, dtype=jnp.int64 if jax.config.jax_enable_x64 else jnp.int32)
    word_emb = jax.random.normal(ks[1], (VOCAB, HIDDEN), dtype=jnp.float32) * 0.02
    type_emb = jax.random.normal(ks[2], (TYPE_VOCAB, HIDDEN), dtype=jnp.float32) * 0.02
    pos_emb = jax.random.normal(ks[3], (MAX_POS, HIDDEN), dtype=jnp.float32) * 0.02
    gamma = jnp.ones((HIDDEN,), dtype=jnp.float32)
    beta = jnp.zeros((HIDDEN,), dtype=jnp.float32)
    return {"input_ids": input_ids, "word_emb": word_emb, "type_emb": type_emb, "pos_emb": pos_emb, "gamma": gamma, "beta": beta}


def reference(input_ids, word_emb, type_emb, pos_emb, gamma, beta):
    # word embedding lookup (SparseCore gather)
    words = jnp.take(word_emb, input_ids, axis=0)              # [B, S, H]
    # position embeddings: first S rows of the table
    position = pos_emb[: input_ids.shape[1]]                   # [S, H]
    # token type embeddings: row 0 broadcast (matches original forward)
    token_types = type_emb[0]                                  # [H]
    embeddings = position + words + token_types                # [B, S, H]
    # LayerNorm over last axis
    mean = jnp.mean(embeddings, axis=-1, keepdims=True)
    var = jnp.mean((embeddings - mean) ** 2, axis=-1, keepdims=True)
    normed = (embeddings - mean) / jnp.sqrt(var + EPS)
    return normed * gamma + beta

if __name__ == "__main__":
    import jax
    _d = setup_inputs()
    print(jax.jit(kernel)(*tuple(_d.values())))

</pallas_src>

<mosaic_0001>
#map = affine_map<(d0, d1) -> (0)>
#map1 = affine_map<(d0, d1) -> (0, 0)>
module attributes {stable_mosaic.version = 14 : i64} {
  func.func @_sc_gather(%arg0: i32, %arg1: i32, %arg2: memref<8192xi32, #tpu.memory_space<hbm>>, %arg3: memref<100000x768xf32, #tpu.memory_space<hbm>>, %arg4: memref<8192x768xf32, #tpu.memory_space<hbm>>, %arg5: memref<256xi32, #tpu.memory_space<vmem>>, %arg6: memref<8x16x768xf32, #tpu.memory_space<vmem>>, %arg7: memref<!tpu.dma_semaphore, #tpu.memory_space<semaphore_mem>>, %arg8: memref<!tpu.dma_semaphore, #tpu.memory_space<semaphore_mem>>, %arg9: memref<!tpu.dma_semaphore, #tpu.memory_space<semaphore_mem>>, %arg10: memref<!tpu.dma_semaphore, #tpu.memory_space<semaphore_mem>>, %arg11: memref<!tpu.dma_semaphore, #tpu.memory_space<semaphore_mem>>, %arg12: memref<!tpu.dma_semaphore, #tpu.memory_space<semaphore_mem>>, %arg13: memref<!tpu.dma_semaphore, #tpu.memory_space<semaphore_mem>>, %arg14: memref<!tpu.dma_semaphore, #tpu.memory_space<semaphore_mem>>, %arg15: memref<!tpu.dma_semaphore, #tpu.memory_space<semaphore_mem>>, %arg16: memref<!tpu.dma_semaphore, #tpu.memory_space<semaphore_mem>>, %arg17: memref<!tpu.dma_semaphore, #tpu.memory_space<semaphore_mem>>, %arg18: memref<!tpu.dma_semaphore, #tpu.memory_space<semaphore_mem>>, %arg19: memref<!tpu.dma_semaphore, #tpu.memory_space<semaphore_mem>>, %arg20: memref<!tpu.dma_semaphore, #tpu.memory_space<semaphore_mem>>, %arg21: memref<!tpu.dma_semaphore, #tpu.memory_space<semaphore_mem>>, %arg22: memref<!tpu.dma_semaphore, #tpu.memory_space<semaphore_mem>>) attributes {dimension_semantics = [#tpu.dimension_semantics<core_parallel>, #tpu.dimension_semantics<subcore_parallel>], iteration_bounds = array<i64: 2, 16>, scalar_prefetch = 0 : i64, scratch_operands = 18 : i64, tpu.core_type = #tpu.core_type<sc_vector_subcore>, window_params = [{transform_indices = #map}, {transform_indices = #map1}, {transform_indices = #map1}]} {
    %mul3A = arith.constant 2 : i32
    %mul3A_0 = arith.muli %arg1, %mul3A : i32
    %add3A = arith.addi %mul3A_0, %arg0 : i32
    %mul3A_1 = arith.constant 256 : i32
    %mul3A_2 = arith.muli %add3A, %mul3A_1 : i32
    %multiple_of3A = tpu.assume_multiple %mul3A_2, 256 : i32
    "tpu.region"() ({
      %run_scoped3A = tpu.sem_alloc : memref<!tpu.dma_semaphore, #tpu.memory_space<semaphore_mem>>
      %dma_start3A_801 = tpu.memref_slice %arg2[%multiple_of3A] : memref<8192xi32, #tpu.memory_space<hbm>> -> memref<256xi32, #tpu.memory_space<hbm>>
      %dma_start3A_802 = tpu.memref_slice %arg2[%multiple_of3A] : memref<8192xi32, #tpu.memory_space<hbm>> -> memref<256xi32, #tpu.memory_space<hbm>>
      tpu.enqueue_dma source(%dma_start3A_802 : memref<256xi32, #tpu.memory_space<hbm>>) target(%arg5 : memref<256xi32, #tpu.memory_space<vmem>>) target_semaphore(%run_scoped3A : memref<!tpu.dma_semaphore, #tpu.memory_space<semaphore_mem>>)
      %dma_wait3A_803 = tpu.memref_slice %arg2[%multiple_of3A] : memref<8192xi32, #tpu.memory_space<hbm>> -> memref<256xi32, #tpu.memory_space<hbm>>
      %dma_wait3A_804 = tpu.memref_slice %arg2[%multiple_of3A] : memref<8192xi32, #tpu.memory_space<hbm>> -> memref<256xi32, #tpu.memory_space<hbm>>
      tpu.wait_dma2 semaphore(%run_scoped3A : memref<!tpu.dma_semaphore, #tpu.memory_space<semaphore_mem>>) src(%dma_wait3A_804 : memref<256xi32, #tpu.memory_space<hbm>>) dst(%arg5 : memref<256xi32, #tpu.memory_space<vmem>>)
      tpu.yield
    }) : () -> ()
    %dma_start3A = arith.constant 0 : i32
    %dma_start3A_3 = arith.constant 0 : i32
    %dma_start3A_4 = arith.constant 0 : i32
    %dma_start3A_5 = tpu.memref_slice %arg6[%dma_start3A, %dma_start3A_3, %dma_start3A_4] : memref<8x16x768xf32, #tpu.memory_space<vmem>> -> memref<1x16x768xf32, #tpu.memory_space<vmem>>
    %dma_start3A_6 = tpu.memref_squeeze %dma_start3A_5 : memref<1x16x768xf32, #tpu.memory_space<vmem>> -> memref<16x768xf32, #tpu.memory_space<vmem>>
    %dma_start3A_7 = arith.constant 0 : i32
    %dma_start3A_8 = tpu.memref_slice %arg5[%dma_start3A_7] : memref<256xi32, #tpu.memory_space<vmem>> -> memref<16xi32, #tpu.memory_space<vmem>>
    %dma_start3A_9 = arith.constant 0 : i32
    %dma_start3A_10 = arith.constant 0 : i32
    %dma_start3A_11 = tpu.memref_slice %arg3[%dma_start3A_9, %dma_start3A_10] : memref<100000x768xf32, #tpu.memory_space<hbm>> -> memref<100000x768xf32, #tpu.memory_space<hbm>>
    tpu.enqueue_indirect_dma source(%dma_start3A_11 : memref<100000x768xf32, #tpu.memory_space<hbm>>) target(%dma_start3A_6 : memref<16x768xf32, #tpu.memory_space<vmem>>) offsets(%dma_start3A_8 : memref<16xi32, #tpu.memory_space<vmem>>) semaphore(%arg7 : memref<!tpu.dma_semaphore, #tpu.memory_space<semaphore_mem>>)
    %dma_start3A_12 = arith.constant 1 : i32
    %dma_start3A_13 = arith.constant 0 : i32
    %dma_start3A_14 = arith.constant 0 : i32
    %dma_start3A_15 = tpu.memref_slice %arg6[%dma_start3A_12, %dma_start3A_13, %dma_start3A_14] : memref<8x16x768xf32, #tpu.memory_space<vmem>> -> memref<1x16x768xf32, #tpu.memory_space<vmem>>
    %dma_start3A_16 = tpu.memref_squeeze %dma_start3A_15 : memref<1x16x768xf32, #tpu.memory_space<vmem>> -> memref<16x768xf32, #tpu.memory_space<vmem>>
    %dma_start3A_17 = arith.constant 16 : i32
    %dma_start3A_18 = tpu.memref_slice %arg5[%dma_start3A_17] : memref<256xi32, #tpu.memory_space<vmem>> -> memref<16xi32, #tpu.memory_space<vmem>>
    %dma_start3A_19 = arith.constant 0 : i32
    %dma_start3A_20 = arith.constant 0 : i32
    %dma_start3A_21 = tpu.memref_slice %arg3[%dma_start3A_19, %dma_start3A_20] : memref<100000x768xf32, #tpu.memory_space<hbm>> -> memref<100000x768xf32, #tpu.memory_space<hbm>>
    tpu.enqueue_indirect_dma source(%dma_start3A_21 : memref<100000x768xf32, #tpu.memory_space<hbm>>) target(%dma_start3A_16 : memref<16x768xf32, #tpu.memory_space<vmem>>) offsets(%dma_start3A_18 : memref<16xi32, #tpu.memory_space<vmem>>) semaphore(%arg8 : memref<!tpu.dma_semaphore, #tpu.memory_space<semaphore_mem>>)
    %dma_start3A_22 = arith.constant 2 : i32
    %dma_start3A_23 = arith.constant 0 : i32
    %dma_start3A_24 = arith.constant 0 : i32
    %dma_start3A_25 = tpu.memref_slice %arg6[%dma_start3A_22, %dma_start3A_23, %dma_start3A_24] : memref<8x16x768xf32, #tpu.memory_space<vmem>> -> memref<1x16x768xf32, #tpu.memory_space<vmem>>
    %dma_start3A_26 = tpu.memref_squeeze %dma_start3A_25 : memref<1x16x768xf32, #tpu.memory_space<vmem>> -> memref<16x768xf32, #tpu.memory_space<vmem>>
    %dma_start3A_27 = arith.constant 32 : i32
    %dma_start3A_28 = tpu.memref_slice %arg5[%dma_start3A_27] : memref<256xi32, #tpu.memory_space<vmem>> -> memref<16xi32, #tpu.memory_space<vmem>>
    %dma_start3A_29 = arith.constant 0 : i32
    %dma_start3A_30 = arith.constant 0 : i32
    %dma_start3A_31 = tpu.memref_slice %arg3[%dma_start3A_29, %dma_start3A_30] : memref<100000x768xf32, #tpu.memory_space<hbm>> -> memref<100000x768xf32, #tpu.memory_space<hbm>>
    tpu.enqueue_indirect_dma source(%dma_start3A_31 : memref<100000x768xf32, #tpu.memory_space<hbm>>) target(%dma_start3A_26 : memref<16x768xf32, #tpu.memory_space<vmem>>) offsets(%dma_start3A_28 : memref<16xi32, #tpu.memory_space<vmem>>) semaphore(%arg9 : memref<!tpu.dma_semaphore, #tpu.memory_space<semaphore_mem>>)
    %dma_start3A_32 = arith.constant 3 : i32
    %dma_start3A_33 = arith.constant 0 : i32
    %dma_start3A_34 = arith.constant 0 : i32
    %dma_start3A_35 = tpu.memref_slice %arg6[%dma_start3A_32, %dma_start3A_33, %dma_start3A_34] : memref<8x16x768xf32, #tpu.memory_space<vmem>> -> memref<1x16x768xf32, #tpu.memory_space<vmem>>
    %dma_start3A_36 = tpu.memref_squeeze %dma_start3A_35 : memref<1x16x768xf32, #tpu.memory_space<vmem>> -> memref<16x768xf32, #tpu.memory_space<vmem>>
    %dma_start3A_37 = arith.constant 48 : i32
    %dma_start3A_38 = tpu.memref_slice %arg5[%dma_start3A_37] : memref<256xi32, #tpu.memory_space<vmem>> -> memref<16xi32, #tpu.memory_space<vmem>>
    %dma_start3A_39 = arith.constant 0 : i32
    %dma_start3A_40 = arith.constant 0 : i32
    %dma_start3A_41 = tpu.memref_slice %arg3[%dma_start3A_39, %dma_start3A_40] : memref<100000x768xf32, #tpu.memory_space<hbm>> -> memref<100000x768xf32, #tpu.memory_space<hbm>>
    tpu.enqueue_indirect_dma source(%dma_start3A_41 : memref<100000x768xf32, #tpu.memory_space<hbm>>) target(%dma_start3A_36 : memref<16x768xf32, #tpu.memory_space<vmem>>) offsets(%dma_start3A_38 : memref<16xi32, #tpu.memory_space<vmem>>) semaphore(%arg10 : memref<!tpu.dma_semaphore, #tpu.memory_space<semaphore_mem>>)
    %dma_start3A_42 = arith.constant 4 : i32
    %dma_start3A_43 = arith.constant 0 : i32
    %dma_start3A_44 = arith.constant 0 : i32
    %dma_start3A_45 = tpu.memref_slice %arg6[%dma_start3A_42, %dma_start3A_43, %dma_start3A_44] : memref<8x16x768xf32, #tpu.memory_space<vmem>> -> memref<1x16x768xf32, #tpu.memory_space<vmem>>
    %dma_start3A_46 = tpu.memref_squeeze %dma_start3A_45 : memref<1x16x768xf32, #tpu.memory_space<vmem>> -> memref<16x768xf32, #tpu.memory_space<vmem>>
    %dma_start3A_47 = arith.constant 64 : i32
    %dma_start3A_48 = tpu.memref_slice %arg5[%dma_start3A_47] : memref<256xi32, #tpu.memory_space<vmem>> -> memref<16xi32, #tpu.memory_space<vmem>>
    %dma_start3A_49 = arith.constant 0 : i32
    %dma_start3A_50 = arith.constant 0 : i32
    %dma_start3A_51 = tpu.memref_slice %arg3[%dma_start3A_49, %dma_start3A_50] : memref<100000x768xf32, #tpu.memory_space<hbm>> -> memref<100000x768xf32, #tpu.memory_space<hbm>>
    tpu.enqueue_indirect_dma source(%dma_start3A_51 : memref<100000x768xf32, #tpu.memory_space<hbm>>) target(%dma_start3A_46 : memref<16x768xf32, #tpu.memory_space<vmem>>) offsets(%dma_start3A_48 : memref<16xi32, #tpu.memory_space<vmem>>) semaphore(%arg11 : memref<!tpu.dma_semaphore, #tpu.memory_space<semaphore_mem>>)
    %dma_start3A_52 = arith.constant 5 : i32
    %dma_start3A_53 = arith.constant 0 : i32
    %dma_start3A_54 = arith.constant 0 : i32
    %dma_start3A_55 = tpu.memref_slice %arg6[%dma_start3A_52, %dma_start3A_53, %dma_start3A_54] : memref<8x16x768xf32, #tpu.memory_space<vmem>> -> memref<1x16x768xf32, #tpu.memory_space<vmem>>
    %dma_start3A_56 = tpu.memref_squeeze %dma_start3A_55 : memref<1x16x768xf32, #tpu.memory_space<vmem>> -> memref<16x768xf32, #tpu.memory_space<vmem>>
    %dma_start3A_57 = arith.constant 80 : i32
    %dma_start3A_58 = tpu.memref_slice %arg5[%dma_start3A_57] : memref<256xi32, #tpu.memory_space<vmem>> -> memref<16xi32, #tpu.memory_space<vmem>>
    %dma_start3A_59 = arith.constant 0 : i32
    %dma_start3A_60 = arith.constant 0 : i32
    %dma_start3A_61 = tpu.memref_slice %arg3[%dma_start3A_59, %dma_start3A_60] : memref<100000x768xf32, #tpu.memory_space<hbm>> -> memref<100000x768xf32, #tpu.memory_space<hbm>>
    tpu.enqueue_indirect_dma source(%dma_start3A_61 : memref<100000x768xf32, #tpu.memory_space<hbm>>) target(%dma_start3A_56 : memref<16x768xf32, #tpu.memory_space<vmem>>) offsets(%dma_start3A_58 : memref<16xi32, #tpu.memory_space<vmem>>) semaphore(%arg12 : memref<!tpu.dma_semaphore, #tpu.memory_space<semaphore_mem>>)
    %dma_start3A_62 = arith.constant 6 : i32
    %dma_start3A_63 = arith.constant 0 : i32
    %dma_start3A_64 = arith.constant 0 : i32
    %dma_start3A_65 = tpu.memref_slice %arg6[%dma_start3A_62, %dma_start3A_63, %dma_start3A_64] : memref<8x16x768xf32, #tpu.memory_space<vmem>> -> memref<1x16x768xf32, #tpu.memory_space<vmem>>
    %dma_start3A_66 = tpu.memref_squeeze %dma_start3A_65 : memref<1x16x768xf32, #tpu.memory_space<vmem>> -> memref<16x768xf32, #tpu.memory_space<vmem>>
    %dma_start3A_67 = arith.constant 96 : i32
    %dma_start3A_68 = tpu.memref_slice %arg5[%dma_start3A_67] : memref<256xi32, #tpu.memory_space<vmem>> -> memref<16xi32, #tpu.memory_space<vmem>>
    %dma_start3A_69 = arith.constant 0 : i32
    %dma_start3A_70 = arith.constant 0 : i32
    %dma_start3A_71 = tpu.memref_slice %arg3[%dma_start3A_69, %dma_start3A_70] : memref<100000x768xf32, #tpu.memory_space<hbm>> -> memref<100000x768xf32, #tpu.memory_space<hbm>>
    tpu.enqueue_indirect_dma source(%dma_start3A_71 : memref<100000x768xf32, #tpu.memory_space<hbm>>) target(%dma_start3A_66 : memref<16x768xf32, #tpu.memory_space<vmem>>) offsets(%dma_start3A_68 : memref<16xi32, #tpu.memory_space<vmem>>) semaphore(%arg13 : memref<!tpu.dma_semaphore, #tpu.memory_space<semaphore_mem>>)
    %dma_start3A_72 = arith.constant 7 : i32
    %dma_start3A_73 = arith.constant 0 : i32
    %dma_start3A_74 = arith.constant 0 : i32
    %dma_start3A_75 = tpu.memref_slice %arg6[%dma_start3A_72, %dma_start3A_73, %dma_start3A_74] : memref<8x16x768xf32, #tpu.memory_space<vmem>> -> memref<1x16x768xf32, #tpu.memory_space<vmem>>
    %dma_start3A_76 = tpu.memref_squeeze %dma_start3A_75 : memref<1x16x768xf32, #tpu.memory_space<vmem>> -> memref<16x768xf32, #tpu.memory_space<vmem>>
    %dma_start3A_77 = arith.constant 112 : i32
    %dma_start3A_78 = tpu.memref_slice %arg5[%dma_start3A_77] : memref<256xi32, #tpu.memory_space<vmem>> -> memref<16xi32, #tpu.memory_space<vmem>>
    %dma_start3A_79 = arith.constant 0 : i32
    %dma_start3A_80 = arith.constant 0 : i32
    %dma_start3A_81 = tpu.memref_slice %arg3[%dma_start3A_79, %dma_start3A_80] : memref<100000x768xf32, #tpu.memory_space<hbm>> -> memref<100000x768xf32, #tpu.memory_space<hbm>>
    tpu.enqueue_indirect_dma source(%dma_start3A_81 : memref<100000x768xf32, #tpu.memory_space<hbm>>) target(%dma_start3A_76 : memref<16x768xf32, #tpu.memory_space<vmem>>) offsets(%dma_start3A_78 : memref<16xi32, #tpu.memory_space<vmem>>) semaphore(%arg14 : memref<!tpu.dma_semaphore, #tpu.memory_space<semaphore_mem>>)
    %dma_wait3A = arith.constant 0 : i32
    %dma_wait3A_82 = arith.constant 0 : i32
    %dma_wait3A_83 = arith.constant 0 : i32
    %dma_wait3A_84 = tpu.memref_slice %arg6[%dma_wait3A, %dma_wait3A_82, %dma_wait3A_83] : memref<8x16x768xf32, #tpu.memory_space<vmem>> -> memref<1x16x768xf32, #tpu.memory_space<vmem>>
    %dma_wait3A_85 = tpu.memref_squeeze %dma_wait3A_84 : memref<1x16x768xf32, #tpu.memory_space<vmem>> -> memref<16x768xf32, #tpu.memory_space<vmem>>
    %dma_wait3A_86 = arith.constant 0 : i32
    %dma_wait3A_87 = tpu.memref_slice %arg5[%dma_wait3A_86] : memref<256xi32, #tpu.memory_space<vmem>> -> memref<16xi32, #tpu.memory_space<vmem>>
    %dma_wait3A_88 = arith.constant 0 : i32
    %dma_wait3A_89 = arith.constant 0 : i32
    %dma_wait3A_90 = tpu.memref_slice %arg3[%dma_wait3A_88, %dma_wait3A_89] : memref<100000x768xf32, #tpu.memory_space<hbm>> -> memref<100000x768xf32, #tpu.memory_space<hbm>>
    tpu.wait_indirect_dma semaphore(%arg7 : memref<!tpu.dma_semaphore, #tpu.memory_space<semaphore_mem>>) src(%dma_wait3A_90 : memref<100000x768xf32, #tpu.memory_space<hbm>>) dst(%dma_wait3A_85 : memref<16x768xf32, #tpu.memory_space<vmem>>)
    %add3A_91 = arith.constant 0 : i32
    %add3A_92 = arith.addi %multiple_of3A, %add3A_91 : i32
    %dma_start3A_93 = arith.constant 0 : i32
    %dma_start3A_94 = arith.constant 0 : i32
    %dma_start3A_95 = arith.constant 0 : i32
    %dma_start3A_96 = tpu.memref_slice %arg6[%dma_start3A_93, %dma_start3A_94, %dma_start3A_95] : memref<8x16x768xf32, #tpu.memory_space<vmem>> -> memref<1x16x768xf32, #tpu.memory_space<vmem>>
    %dma_start3A_97 = tpu.memref_squeeze %dma_start3A_96 : memref<1x16x768xf32, #tpu.memory_space<vmem>> -> memref<16x768xf32, #tpu.memory_space<vmem>>
    %dma_start3A_98 = arith.constant 0 : i32
    %dma_start3A_99 = tpu.memref_slice %arg4[%add3A_92, %dma_start3A_98] : memref<8192x768xf32, #tpu.memory_space<hbm>> -> memref<16x768xf32, #tpu.memory_space<hbm>>
    %dma_start3A_100 = arith.constant 0 : i32
    %dma_start3A_101 = tpu.memref_slice %arg4[%add3A_92, %dma_start3A_100] : memref<8192x768xf32, #tpu.memory_space<hbm>> -> memref<16x768xf32, #tpu.memory_space<hbm>>
    %dma_start3A_102 = arith.constant 0 : i32
    %dma_start3A_103 = arith.constant 0 : i32
    %dma_start3A_104 = tpu.memref_slice %arg6[%dma_start3A_93, %dma_start3A_102, %dma_start3A_103] : memref<8x16x768xf32, #tpu.memory_space<vmem>> -> memref<1x16x768xf32, #tpu.memory_space<vmem>>
    %dma_start3A_105 = tpu.memref_squeeze %dma_start3A_104 : memref<1x16x768xf32, #tpu.memory_space<vmem>> -> memref<16x768xf32, #tpu.memory_space<vmem>>
    tpu.enqueue_dma source(%dma_start3A_105 : memref<16x768xf32, #tpu.memory_space<vmem>>) target(%dma_start3A_101 : memref<16x768xf32, #tpu.memory_space<hbm>>) target_semaphore(%arg15 : memref<!tpu.dma_semaphore, #tpu.memory_space<semaphore_mem>>)
    %add3A_106 = arith.constant 0 : i32
    %add3A_107 = arith.addi %multiple_of3A, %add3A_106 : i32
    %dma_wait3A_108 = arith.constant 0 : i32
    %dma_wait3A_109 = arith.constant 0 : i32
    %dma_wait3A_110 = arith.constant 0 : i32
    %dma_wait3A_111 = tpu.memref_slice %arg6[%dma_wait3A_108, %dma_wait3A_109, %dma_wait3A_110] : memref<8x16x768xf32, #tpu.memory_space<vmem>> -> memref<1x16x768xf32, #tpu.memory_space<vmem>>
    %dma_wait3A_112 = tpu.memref_squeeze %dma_wait3A_111 : memref<1x16x768xf32, #tpu.memory_space<vmem>> -> memref<16x768xf32, #tpu.memory_space<vmem>>
    %dma_wait3A_113 = arith.constant 0 : i32
    %dma_wait3A_114 = tpu.memref_slice %arg4[%add3A_107, %dma_wait3A_113] : memref<8192x768xf32, #tpu.memory_space<hbm>> -> memref<16x768xf32, #tpu.memory_space<hbm>>
    %dma_wait3A_115 = arith.constant 0 : i32
    %dma_wait3A_116 = tpu.memref_slice %arg4[%add3A_107, %dma_wait3A_115] : memref<8192x768xf32, #tpu.memory_space<hbm>> -> memref<16x768xf32, #tpu.memory_space<hbm>>
    %dma_wait3A_117 = arith.constant 0 : i32
    %dma_wait3A_118 = arith.constant 0 : i32
    %dma_wait3A_119 = tpu.memref_slice %arg6[%dma_wait3A_108, %dma_wait3A_117, %dma_wait3A_118] : memref<8x16x768xf32, #tpu.memory_space<vmem>> -> memref<1x16x768xf32, #tpu.memory_space<vmem>>
    %dma_wait3A_120 = tpu.memref_squeeze %dma_wait3A_119 : memref<1x16x768xf32, #tpu.memory_space<vmem>> -> memref<16x768xf32, #tpu.memory_space<vmem>>
    tpu.wait_dma2 semaphore(%arg15 : memref<!tpu.dma_semaphore, #tpu.memory_space<semaphore_mem>>) src(%dma_wait3A_120 : memref<16x768xf32, #tpu.memory_space<vmem>>) dst(%dma_wait3A_116 : memref<16x768xf32, #tpu.memory_space<hbm>>)
    %dma_start3A_121 = arith.constant 0 : i32
    %dma_start3A_122 = arith.constant 0 : i32
    %dma_start3A_123 = arith.constant 0 : i32
    %dma_start3A_124 = tpu.memref_slice %arg6[%dma_start3A_121, %dma_start3A_122, %dma_start3A_123] : memref<8x16x768xf32, #tpu.memory_space<vmem>> -> memref<1x16x768xf32, #tpu.memory_space<vmem>>
    %dma_start3A_125 = tpu.memref_squeeze %dma_start3A_124 : memref<1x16x768xf32, #tpu.memory_space<vmem>> -> memref<16x768xf32, #tpu.memory_space<vmem>>
    %dma_start3A_126 = arith.constant 128 : i32
    %dma_start3A_127 = tpu.memref_slice %arg5[%dma_start3A_126] : memref<256xi32, #tpu.memory_space<vmem>> -> memref<16xi32, #tpu.memory_space<vmem>>
    %dma_start3A_128 = arith.constant 0 : i32
    %dma_start3A_129 = arith.constant 0 : i32
    %dma_start3A_130 = tpu.memref_slice %arg3[%dma_start3A_128, %dma_start3A_129] : memref<100000x768xf32, #tpu.memory_space<hbm>> -> memref<100000x768xf32, #tpu.memory_space<hbm>>
    tpu.enqueue_indirect_dma source(%dma_start3A_130 : memref<100000x768xf32, #tpu.memory_space<hbm>>) target(%dma_start3A_125 : memref<16x768xf32, #tpu.memory_space<vmem>>) offsets(%dma_start3A_127 : memref<16xi32, #tpu.memory_space<vmem>>) semaphore(%arg7 : memref<!tpu.dma_semaphore, #tpu.memory_space<semaphore_mem>>)
    %dma_wait3A_131 = arith.constant 1 : i32
    %dma_wait3A_132 = arith.constant 0 : i32
    %dma_wait3A_133 = arith.constant 0 : i32
    %dma_wait3A_134 = tpu.memref_slice %arg6[%dma_wait3A_131, %dma_wait3A_132, %dma_wait3A_133] : memref<8x16x768xf32, #tpu.memory_space<vmem>> -> memref<1x16x768xf32, #tpu.memory_space<vmem>>
    %dma_wait3A_135 = tpu.memref_squeeze %dma_wait3A_134 : memref<1x16x768xf32, #tpu.memory_space<vmem>> -> memref<16x768xf32, #tpu.memory_space<vmem>>
    %dma_wait3A_136 = arith.constant 16 : i32
    %dma_wait3A_137 = tpu.memref_slice %arg5[%dma_wait3A_136] : memref<256xi32, #tpu.memory_space<vmem>> -> memref<16xi32, #tpu.memory_space<vmem>>
    %dma_wait3A_138 = arith.constant 0 : i32
    %dma_wait3A_139 = arith.constant 0 : i32
    %dma_wait3A_140 = tpu.memref_slice %arg3[%dma_wait3A_138, %dma_wait3A_139] : memref<100000x768xf32, #tpu.memory_space<hbm>> -> memref<100000x768xf32, #tpu.memory_space<hbm>>
    tpu.wait_indirect_dma semaphore(%arg8 : memref<!tpu.dma_semaphore, #tpu.memory_space<semaphore_mem>>) src(%dma_wait3A_140 : memref<100000x768xf32, #tpu.memory_space<hbm>>) dst(%dma_wait3A_135 : memref<16x768xf32, #tpu.memory_space<vmem>>)
    %add3A_141 = arith.constant 16 : i32
    %add3A_142 = arith.addi %multiple_of3A, %add3A_141 : i32
    %dma_start3A_143 = arith.constant 1 : i32
    %dma_start3A_144 = arith.constant 0 : i32
    %dma_start3A_145 = arith.constant 0 : i32
    %dma_start3A_146 = tpu.memref_slice %arg6[%dma_start3A_143, %dma_start3A_144, %dma_start3A_145] : memref<8x16x768xf32, #tpu.memory_space<vmem>> -> memref<1x16x768xf32, #tpu.memory_space<vmem>>
    %dma_start3A_147 = tpu.memref_squeeze %dma_start3A_146 : memref<1x16x768xf32, #tpu.memory_space<vmem>> -> memref<16x768xf32, #tpu.memory_space<vmem>>
    %dma_start3A_148 = arith.constant 0 : i32
    %dma_start3A_149 = tpu.memref_slice %arg4[%add3A_142, %dma_start3A_148] : memref<8192x768xf32, #tpu.memory_space<hbm>> -> memref<16x768xf32, #tpu.memory_space<hbm>>
    %dma_start3A_150 = arith.constant 0 : i32
    %dma_start3A_151 = tpu.memref_slice %arg4[%add3A_142, %dma_start3A_150] : memref<8192x768xf32, #tpu.memory_space<hbm>> -> memref<16x768xf32, #tpu.memory_space<hbm>>
    %dma_start3A_152 = arith.constant 0 : i32
    %dma_start3A_153 = arith.constant 0 : i32
    %dma_start3A_154 = tpu.memref_slice %arg6[%dma_start3A_143, %dma_start3A_152, %dma_start3A_153] : memref<8x16x768xf32, #tpu.memory_space<vmem>> -> memref<1x16x768xf32, #tpu.memory_space<vmem>>
    %dma_start3A_155 = tpu.memref_squeeze %dma_start3A_154 : memref<1x16x768xf32, #tpu.memory_space<vmem>> -> memref<16x768xf32, #tpu.memory_space<vmem>>
    tpu.enqueue_dma source(%dma_start3A_155 : memref<16x768xf32, #tpu.memory_space<vmem>>) target(%dma_start3A_151 : memref<16x768xf32, #tpu.memory_space<hbm>>) target_semaphore(%arg16 : memref<!tpu.dma_semaphore, #tpu.memory_space<semaphore_mem>>)
    %add3A_156 = arith.constant 16 : i32
    %add3A_157 = arith.addi %multiple_of3A, %add3A_156 : i32
    %dma_wait3A_158 = arith.constant 1 : i32
    %dma_wait3A_159 = arith.constant 0 : i32
    %dma_wait3A_160 = arith.constant 0 : i32
    %dma_wait3A_161 = tpu.memref_slice %arg6[%dma_wait3A_158, %dma_wait3A_159, %dma_wait3A_160] : memref<8x16x768xf32, #tpu.memory_space<vmem>> -> memref<1x16x768xf32, #tpu.memory_space<vmem>>
    %dma_wait3A_162 = tpu.memref_squeeze %dma_wait3A_161 : memref<1x16x768xf32, #tpu.memory_space<vmem>> -> memref<16x768xf32, #tpu.memory_space<vmem>>
    %dma_wait3A_163 = arith.constant 0 : i32
    %dma_wait3A_164 = tpu.memref_slice %arg4[%add3A_157, %dma_wait3A_163] : memref<8192x768xf32, #tpu.memory_space<hbm>> -> memref<16x768xf32, #tpu.memory_space<hbm>>
    %dma_wait3A_165 = arith.constant 0 : i32
    %dma_wait3A_166 = tpu.memref_slice %arg4[%add3A_157, %dma_wait3A_165] : memref<8192x768xf32, #tpu.memory_space<hbm>> -> memref<16x768xf32, #tpu.memory_space<hbm>>
    %dma_wait3A_167 = arith.constant 0 : i32
    %dma_wait3A_168 = arith.constant 0 : i32
    %dma_wait3A_169 = tpu.memref_slice %arg6[%dma_wait3A_158, %dma_wait3A_167, %dma_wait3A_168] : memref<8x16x768xf32, #tpu.memory_space<vmem>> -> memref<1x16x768xf32, #tpu.memory_space<vmem>>
    %dma_wait3A_170 = tpu.memref_squeeze %dma_wait3A_169 : memref<1x16x768xf32, #tpu.memory_space<vmem>> -> memref<16x768xf32, #tpu.memory_space<vmem>>
    tpu.wait_dma2 semaphore(%arg16 : memref<!tpu.dma_semaphore, #tpu.memory_space<semaphore_mem>>) src(%dma_wait3A_170 : memref<16x768xf32, #tpu.memory_space<vmem>>) dst(%dma_wait3A_166 : memref<16x768xf32, #tpu.memory_space<hbm>>)
    %dma_start3A_171 = arith.constant 1 : i32
    %dma_start3A_172 = arith.constant 0 : i32
    %dma_start3A_173 = arith.constant 0 : i32
    %dma_start3A_174 = tpu.memref_slice %arg6[%dma_start3A_171, %dma_start3A_172, %dma_start3A_173] : memref<8x16x768xf32, #tpu.memory_space<vmem>> -> memref<1x16x768xf32, #tpu.memory_space<vmem>>
    %dma_start3A_175 = tpu.memref_squeeze %dma_start3A_174 : memref<1x16x768xf32, #tpu.memory_space<vmem>> -> memref<16x768xf32, #tpu.memory_space<vmem>>
    %dma_start3A_176 = arith.constant 144 : i32
    %dma_start3A_177 = tpu.memref_slice %arg5[%dma_start3A_176] : memref<256xi32, #tpu.memory_space<vmem>> -> memref<16xi32, #tpu.memory_space<vmem>>
    %dma_start3A_178 = arith.constant 0 : i32
    %dma_start3A_179 = arith.constant 0 : i32
    %dma_start3A_180 = tpu.memref_slice %arg3[%dma_start3A_178, %dma_start3A_179] : memref<100000x768xf32, #tpu.memory_space<hbm>> -> memref<100000x768xf32, #tpu.memory_space<hbm>>
    tpu.enqueue_indirect_dma source(%dma_start3A_180 : memref<100000x768xf32, #tpu.memory_space<hbm>>) target(%dma_start3A_175 : memref<16x768xf32, #tpu.memory_space<vmem>>) offsets(%dma_start3A_177 : memref<16xi32, #tpu.memory_space<vmem>>) semaphore(%arg8 : memref<!tpu.dma_semaphore, #tpu.memory_space<semaphore_mem>>)
    %dma_wait3A_181 = arith.constant 2 : i32
    %dma_wait3A_182 = arith.constant 0 : i32
    %dma_wait3A_183 = arith.constant 0 : i32
    %dma_wait3A_184 = tpu.memref_slice %arg6[%dma_wait3A_181, %dma_wait3A_182, %dma_wait3A_183] : memref<8x16x768xf32, #tpu.memory_space<vmem>> -> memref<1x16x768xf32, #tpu.memory_space<vmem>>
    %dma_wait3A_185 = tpu.memref_squeeze %dma_wait3A_184 : memref<1x16x768xf32, #tpu.memory_space<vmem>> -> memref<16x768xf32, #tpu.memory_space<vmem>>
    %dma_wait3A_186 = arith.constant 32 : i32
    %dma_wait3A_187 = tpu.memref_slice %arg5[%dma_wait3A_186] : memref<256xi32, #tpu.memory_space<vmem>> -> memref<16xi32, #tpu.memory_space<vmem>>
    %dma_wait3A_188 = arith.constant 0 : i32
    %dma_wait3A_189 = arith.constant 0 : i32
    %dma_wait3A_190 = tpu.memref_slice %arg3[%dma_wait3A_188, %dma_wait3A_189] : memref<100000x768xf32, #tpu.memory_space<hbm>> -> memref<100000x768xf32, #tpu.memory_space<hbm>>
    tpu.wait_indirect_dma semaphore(%arg9 : memref<!tpu.dma_semaphore, #tpu.memory_space<semaphore_mem>>) src(%dma_wait3A_190 : memref<100000x768xf32, #tpu.memory_space<hbm>>) dst(%dma_wait3A_185 : memref<16x768xf32, #tpu.memory_space<vmem>>)
    %add3A_191 = arith.constant 32 : i32
    %add3A_192 = arith.addi %multiple_of3A, %add3A_191 : i32
    %dma_start3A_193 = arith.constant 2 : i32
    %dma_start3A_194 = arith.constant 0 : i32
    %dma_start3A_195 = arith.constant 0 : i32
    %dma_start3A_196 = tpu.memref_slice %arg6[%dma_start3A_193, %dma_start3A_194, %dma_start3A_195] : memref<8x16x768xf32, #tpu.memory_space<vmem>> -> memref<1x16x768xf32, #tpu.memory_space<vmem>>
    %dma_start3A_197 = tpu.memref_squeeze %dma_start3A_196 : memref<1x16x768xf32, #tpu.memory_space<vmem>> -> memref<16x768xf32, #tpu.memory_space<vmem>>
    %dma_start3A_198 = arith.constant 0 : i32
    %dma_start3A_199 = tpu.memref_slice %arg4[%add3A_192, %dma_start3A_198] : memref<8192x768xf32, #tpu.memory_space<hbm>> -> memref<16x768xf32, #tpu.memory_space<hbm>>
    %dma_start3A_200 = arith.constant 0 : i32
    %dma_start3A_201 = tpu.memref_slice %arg4[%add3A_192, %dma_start3A_200] : memref<8192x768xf32, #tpu.memory_space<hbm>> -> memref<16x768xf32, #tpu.memory_space<hbm>>
    %dma_start3A_202 = arith.constant 0 : i32
    %dma_start3A_203 = arith.constant 0 : i32
    %dma_start3A_204 = tpu.memref_slice %arg6[%dma_start3A_193, %dma_start3A_202, %dma_start3A_203] : memref<8x16x768xf32, #tpu.memory_space<vmem>> -> memref<1x16x768xf32, #tpu.memory_space<vmem>>
    %dma_start3A_205 = tpu.memref_squeeze %dma_start3A_204 : memref<1x16x768xf32, #tpu.memory_space<vmem>> -> memref<16x768xf32, #tpu.memory_space<vmem>>
    tpu.enqueue_dma source(%dma_start3A_205 : memref<16x768xf32, #tpu.memory_space<vmem>>) target(%dma_start3A_201 : memref<16x768xf32, #tpu.memory_space<hbm>>) target_semaphore(%arg17 : memref<!tpu.dma_semaphore, #tpu.memory_space<semaphore_mem>>)
    %add3A_206 = arith.constant 32 : i32
    %add3A_207 = arith.addi %multiple_of3A, %add3A_206 : i32
    %dma_wait3A_208 = arith.constant 2 : i32
    %dma_wait3A_209 = arith.constant 0 : i32
    %dma_wait3A_210 = arith.constant 0 : i32
    %dma_wait3A_211 = tpu.memref_slice %arg6[%dma_wait3A_208, %dma_wait3A_209, %dma_wait3A_210] : memref<8x16x768xf32, #tpu.memory_space<vmem>> -> memref<1x16x768xf32, #tpu.memory_space<vmem>>
    %dma_wait3A_212 = tpu.memref_squeeze %dma_wait3A_211 : memref<1x16x768xf32, #tpu.memory_space<vmem>> -> memref<16x768xf32, #tpu.memory_space<vmem>>
    %dma_wait3A_213 = arith.constant 0 : i32
    %dma_wait3A_214 = tpu.memref_slice %arg4[%add3A_207, %dma_wait3A_213] : memref<8192x768xf32, #tpu.memory_space<hbm>> -> memref<16x768xf32, #tpu.memory_space<hbm>>
    %dma_wait3A_215 = arith.constant 0 : i32
    %dma_wait3A_216 = tpu.memref_slice %arg4[%add3A_207, %dma_wait3A_215] : memref<8192x768xf32, #tpu.memory_space<hbm>> -> memref<16x768xf32, #tpu.memory_space<hbm>>
    %dma_wait3A_217 = arith.constant 0 : i32
    %dma_wait3A_218 = arith.constant 0 : i32
    %dma_wait3A_219 = tpu.memref_slice %arg6[%dma_wait3A_208, %dma_wait3A_217, %dma_wait3A_218] : memref<8x16x768xf32, #tpu.memory_space<vmem>> -> memref<1x16x768xf32, #tpu.memory_space<vmem>>
    %dma_wait3A_220 = tpu.memref_squeeze %dma_wait3A_219 : memref<1x16x768xf32, #tpu.memory_space<vmem>> -> memref<16x768xf32, #tpu.memory_space<vmem>>
    tpu.wait_dma2 semaphore(%arg17 : memref<!tpu.dma_semaphore, #tpu.memory_space<semaphore_mem>>) src(%dma_wait3A_220 : memref<16x768xf32, #tpu.memory_space<vmem>>) dst(%dma_wait3A_216 : memref<16x768xf32, #tpu.memory_space<hbm>>)
    %dma_start3A_221 = arith.constant 2 : i32
    %dma_start3A_222 = arith.constant 0 : i32
    %dma_start3A_223 = arith.constant 0 : i32
    %dma_start3A_224 = tpu.memref_slice %arg6[%dma_start3A_221, %dma_start3A_222, %dma_start3A_223] : memref<8x16x768xf32, #tpu.memory_space<vmem>> -> memref<1x16x768xf32, #tpu.memory_space<vmem>>
    %dma_start3A_225 = tpu.memref_squeeze %dma_start3A_224 : memref<1x16x768xf32, #tpu.memory_space<vmem>> -> memref<16x768xf32, #tpu.memory_space<vmem>>
    %dma_start3A_226 = arith.constant 160 : i32
    %dma_start3A_227 = tpu.memref_slice %arg5[%dma_start3A_226] : memref<256xi32, #tpu.memory_space<vmem>> -> memref<16xi32, #tpu.memory_space<vmem>>
    %dma_start3A_228 = arith.constant 0 : i32
    %dma_start3A_229 = arith.constant 0 : i32
    %dma_start3A_230 = tpu.memref_slice %arg3[%dma_start3A_228, %dma_start3A_229] : memref<100000x768xf32, #tpu.memory_space<hbm>> -> memref<100000x768xf32, #tpu.memory_space<hbm>>
    tpu.enqueue_indirect_dma source(%dma_start3A_230 : memref<100000x768xf32, #tpu.memory_space<hbm>>) target(%dma_start3A_225 : memref<16x768xf32, #tpu.memory_space<vmem>>) offsets(%dma_start3A_227 : memref<16xi32, #tpu.memory_space<vmem>>) semaphore(%arg9 : memref<!tpu.dma_semaphore, #tpu.memory_space<semaphore_mem>>)
    %dma_wait3A_231 = arith.constant 3 : i32
    %dma_wait3A_232 = arith.constant 0 : i32
    %dma_wait3A_233 = arith.constant 0 : i32
    %dma_wait3A_234 = tpu.memref_slice %arg6[%dma_wait3A_231, %dma_wait3A_232, %dma_wait3A_233] : memref<8x16x768xf32, #tpu.memory_space<vmem>> -> memref<1x16x768xf32, #tpu.memory_space<vmem>>
    %dma_wait3A_235 = tpu.memref_squeeze %dma_wait3A_234 : memref<1x16x768xf32, #tpu.memory_space<vmem>> -> memref<16x768xf32, #tpu.memory_space<vmem>>
    %dma_wait3A_236 = arith.constant 48 : i32
    %dma_wait3A_237 = tpu.memref_slice %arg5[%dma_wait3A_236] : memref<256xi32, #tpu.memory_space<vmem>> -> memref<16xi32, #tpu.memory_space<vmem>>
    %dma_wait3A_238 = arith.constant 0 : i32
    %dma_wait3A_239 = arith.constant 0 : i32
    %dma_wait3A_240 = tpu.memref_slice %arg3[%dma_wait3A_238, %dma_wait3A_239] : memref<100000x768xf32, #tpu.memory_space<hbm>> -> memref<100000x768xf32, #tpu.memory_space<hbm>>
    tpu.wait_indirect_dma semaphore(%arg10 : memref<!tpu.dma_semaphore, #tpu.memory_space<semaphore_mem>>) src(%dma_wait3A_240 : memref<100000x768xf32, #tpu.memory_space<hbm>>) dst(%dma_wait3A_235 : memref<16x768xf32, #tpu.memory_space<vmem>>)
    %add3A_241 = arith.constant 48 : i32
    %add3A_242 = arith.addi %multiple_of3A, %add3A_241 : i32
    %dma_start3A_243 = arith.constant 3 : i32
    %dma_start3A_244 = arith.constant 0 : i32
    %dma_start3A_245 = arith.constant 0 : i32
    %dma_start3A_246 = tpu.memref_slice %arg6[%dma_start3A_243, %dma_start3A_244, %dma_start3A_245] : memref<8x16x768xf32, #tpu.memory_space<vmem>> -> memref<1x16x768xf32, #tpu.memory_space<vmem>>
    %dma_start3A_247 = tpu.memref_squeeze %dma_start3A_246 : memref<1x16x768xf32, #tpu.memory_space<vmem>> -> memref<16x768xf32, #tpu.memory_space<vmem>>
    %dma_start3A_248 = arith.constant 0 : i32
    %dma_start3A_249 = tpu.memref_slice %arg4[%add3A_242, %dma_start3A_248] : memref<8192x768xf32, #tpu.memory_space<hbm>> -> memref<16x768xf32, #tpu.memory_space<hbm>>
    %dma_start3A_250 = arith.constant 0 : i32
    %dma_start3A_251 = tpu.memref_slice %arg4[%add3A_242, %dma_start3A_250] : memref<8192x768xf32, #tpu.memory_space<hbm>> -> memref<16x768xf32, #tpu.memory_space<hbm>>
    %dma_start3A_252 = arith.constant 0 : i32
    %dma_start3A_253 = arith.constant 0 : i32
    %dma_start3A_254 = tpu.memref_slice %arg6[%dma_start3A_243, %dma_start3A_252, %dma_start3A_253] : memref<8x16x768xf32, #tpu.memory_space<vmem>> -> memref<1x16x768xf32, #tpu.memory_space<vmem>>
    %dma_start3A_255 = tpu.memref_squeeze %dma_start3A_254 : memref<1x16x768xf32, #tpu.memory_space<vmem>> -> memref<16x768xf32, #tpu.memory_space<vmem>>
    tpu.enqueue_dma source(%dma_start3A_255 : memref<16x768xf32, #tpu.memory_space<vmem>>) target(%dma_start3A_251 : memref<16x768xf32, #tpu.memory_space<hbm>>) target_semaphore(%arg18 : memref<!tpu.dma_semaphore, #tpu.memory_space<semaphore_mem>>)
    %add3A_256 = arith.constant 48 : i32
    %add3A_257 = arith.addi %multiple_of3A, %add3A_256 : i32
    %dma_wait3A_258 = arith.constant 3 : i32
    %dma_wait3A_259 = arith.constant 0 : i32
    %dma_wait3A_260 = arith.constant 0 : i32
    %dma_wait3A_261 = tpu.memref_slice %arg6[%dma_wait3A_258, %dma_wait3A_259, %dma_wait3A_260] : memref<8x16x768xf32, #tpu.memory_space<vmem>> -> memref<1x16x768xf32, #tpu.memory_space<vmem>>
    %dma_wait3A_262 = tpu.memref_squeeze %dma_wait3A_261 : memref<1x16x768xf32, #tpu.memory_space<vmem>> -> memref<16x768xf32, #tpu.memory_space<vmem>>
    %dma_wait3A_263 = arith.constant 0 : i32
    %dma_wait3A_264 = tpu.memref_slice %arg4[%add3A_257, %dma_wait3A_263] : memref<8192x768xf32, #tpu.memory_space<hbm>> -> memref<16x768xf32, #tpu.memory_space<hbm>>
    %dma_wait3A_265 = arith.constant 0 : i32
    %dma_wait3A_266 = tpu.memref_slice %arg4[%add3A_257, %dma_wait3A_265] : memref<8192x768xf32, #tpu.memory_space<hbm>> -> memref<16x768xf32, #tpu.memory_space<hbm>>
    %dma_wait3A_267 = arith.constant 0 : i32
    %dma_wait3A_268 = arith.constant 0 : i32
    %dma_wait3A_269 = tpu.memref_slice %arg6[%dma_wait3A_258, %dma_wait3A_267, %dma_wait3A_268] : memref<8x16x768xf32, #tpu.memory_space<vmem>> -> memref<1x16x768xf32, #tpu.memory_space<vmem>>
    %dma_wait3A_270 = tpu.memref_squeeze %dma_wait3A_269 : memref<1x16x768xf32, #tpu.memory_space<vmem>> -> memref<16x768xf32, #tpu.memory_space<vmem>>
    tpu.wait_dma2 semaphore(%arg18 : memref<!tpu.dma_semaphore, #tpu.memory_space<semaphore_mem>>) src(%dma_wait3A_270 : memref<16x768xf32, #tpu.memory_space<vmem>>) dst(%dma_wait3A_266 : memref<16x768xf32, #tpu.memory_space<hbm>>)
    %dma_start3A_271 = arith.constant 3 : i32
    %dma_start3A_272 = arith.constant 0 : i32
    %dma_start3A_273 = arith.constant 0 : i32
    %dma_start3A_274 = tpu.memref_slice %arg6[%dma_start3A_271, %dma_start3A_272, %dma_start3A_273] : memref<8x16x768xf32, #tpu.memory_space<vmem>> -> memref<1x16x768xf32, #tpu.memory_space<vmem>>
    %dma_start3A_275 = tpu.memref_squeeze %dma_start3A_274 : memref<1x16x768xf32, #tpu.memory_space<vmem>> -> memref<16x768xf32, #tpu.memory_space<vmem>>
    %dma_start3A_276 = arith.constant 176 : i32
    %dma_start3A_277 = tpu.memref_slice %arg5[%dma_start3A_276] : memref<256xi32, #tpu.memory_space<vmem>> -> memref<16xi32, #tpu.memory_space<vmem>>
    %dma_start3A_278 = arith.constant 0 : i32
    %dma_start3A_279 = arith.constant 0 : i32
    %dma_start3A_280 = tpu.memref_slice %arg3[%dma_start3A_278, %dma_start3A_279] : memref<100000x768xf32, #tpu.memory_space<hbm>> -> memref<100000x768xf32, #tpu.memory_space<hbm>>
    tpu.enqueue_indirect_dma source(%dma_start3A_280 : memref<100000x768xf32, #tpu.memory_space<hbm>>) target(%dma_start3A_275 : memref<16x768xf32, #tpu.memory_space<vmem>>) offsets(%dma_start3A_277 : memref<16xi32, #tpu.memory_space<vmem>>) semaphore(%arg10 : memref<!tpu.dma_semaphore, #tpu.memory_space<semaphore_mem>>)
    %dma_wait3A_281 = arith.constant 4 : i32
    %dma_wait3A_282 = arith.constant 0 : i32
    %dma_wait3A_283 = arith.constant 0 : i32
    %dma_wait3A_284 = tpu.memref_slice %arg6[%dma_wait3A_281, %dma_wait3A_282, %dma_wait3A_283] : memref<8x16x768xf32, #tpu.memory_space<vmem>> -> memref<1x16x768xf32, #tpu.memory_space<vmem>>
    %dma_wait3A_285 = tpu.memref_squeeze %dma_wait3A_284 : memref<1x16x768xf32, #tpu.memory_space<vmem>> -> memref<16x768xf32, #tpu.memory_space<vmem>>
    %dma_wait3A_286 = arith.constant 64 : i32
    %dma_wait3A_287 = tpu.memref_slice %arg5[%dma_wait3A_286] : memref<256xi32, #tpu.memory_space<vmem>> -> memref<16xi32, #tpu.memory_space<vmem>>
    %dma_wait3A_288 = arith.constant 0 : i32
    %dma_wait3A_289 = arith.constant 0 : i32
    %dma_wait3A_290 = tpu.memref_slice %arg3[%dma_wait3A_288, %dma_wait3A_289] : memref<100000x768xf32, #tpu.memory_space<hbm>> -> memref<100000x768xf32, #tpu.memory_space<hbm>>
    tpu.wait_indirect_dma semaphore(%arg11 : memref<!tpu.dma_semaphore, #tpu.memory_space<semaphore_mem>>) src(%dma_wait3A_290 : memref<100000x768xf32, #tpu.memory_space<hbm>>) dst(%dma_wait3A_285 : memref<16x768xf32, #tpu.memory_space<vmem>>)
    %add3A_291 = arith.constant 64 : i32
    %add3A_292 = arith.addi %multiple_of3A, %add3A_291 : i32
    %dma_start3A_293 = arith.constant 4 : i32
    %dma_start3A_294 = arith.constant 0 : i32
    %dma_start3A_295 = arith.constant 0 : i32
    %dma_start3A_296 = tpu.memref_slice %arg6[%dma_start3A_293, %dma_start3A_294, %dma_start3A_295] : memref<8x16x768xf32, #tpu.memory_space<vmem>> -> memref<1x16x768xf32, #tpu.memory_space<vmem>>
    %dma_start3A_297 = tpu.memref_squeeze %dma_start3A_296 : memref<1x16x768xf32, #tpu.memory_space<vmem>> -> memref<16x768xf32, #tpu.memory_space<vmem>>
    %dma_start3A_298 = arith.constant 0 : i32
    %dma_start3A_299 = tpu.memref_slice %arg4[%add3A_292, %dma_start3A_298] : memref<8192x768xf32, #tpu.memory_space<hbm>> -> memref<16x768xf32, #tpu.memory_space<hbm>>
    %dma_start3A_300 = arith.constant 0 : i32
    %dma_start3A_301 = tpu.memref_slice %arg4[%add3A_292, %dma_start3A_300] : memref<8192x768xf32, #tpu.memory_space<hbm>> -> memref<16x768xf32, #tpu.memory_space<hbm>>
    %dma_start3A_302 = arith.constant 0 : i32
    %dma_start3A_303 = arith.constant 0 : i32
    %dma_start3A_304 = tpu.memref_slice %arg6[%dma_start3A_293, %dma_start3A_302, %dma_start3A_303] : memref<8x16x768xf32, #tpu.memory_space<vmem>> -> memref<1x16x768xf32, #tpu.memory_space<vmem>>
    %dma_start3A_305 = tpu.memref_squeeze %dma_start3A_304 : memref<1x16x768xf32, #tpu.memory_space<vmem>> -> memref<16x768xf32, #tpu.memory_space<vmem>>
    tpu.enqueue_dma source(%dma_start3A_305 : memref<16x768xf32, #tpu.memory_space<vmem>>) target(%dma_start3A_301 : memref<16x768xf32, #tpu.memory_space<hbm>>) target_semaphore(%arg19 : memref<!tpu.dma_semaphore, #tpu.memory_space<semaphore_mem>>)
    %add3A_306 = arith.constant 64 : i32
    %add3A_307 = arith.addi %multiple_of3A, %add3A_306 : i32
    %dma_wait3A_308 = arith.constant 4 : i32
    %dma_wait3A_309 = arith.constant 0 : i32
    %dma_wait3A_310 = arith.constant 0 : i32
    %dma_wait3A_311 = tpu.memref_slice %arg6[%dma_wait3A_308, %dma_wait3A_309, %dma_wait3A_310] : memref<8x16x768xf32, #tpu.memory_space<vmem>> -> memref<1x16x768xf32, #tpu.memory_space<vmem>>
    %dma_wait3A_312 = tpu.memref_squeeze %dma_wait3A_311 : memref<1x16x768xf32, #tpu.memory_space<vmem>> -> memref<16x768xf32, #tpu.memory_space<vmem>>
    %dma_wait3A_313 = arith.constant 0 : i32
    %dma_wait3A_314 = tpu.memref_slice %arg4[%add3A_307, %dma_wait3A_313] : memref<8192x768xf32, #tpu.memory_space<hbm>> -> memref<16x768xf32, #tpu.memory_space<hbm>>
    %dma_wait3A_315 = arith.constant 0 : i32
    %dma_wait3A_316 = tpu.memref_slice %arg4[%add3A_307, %dma_wait3A_315] : memref<8192x768xf32, #tpu.memory_space<hbm>> -> memref<16x768xf32, #tpu.memory_space<hbm>>
    %dma_wait3A_317 = arith.constant 0 : i32
    %dma_wait3A_318 = arith.constant 0 : i32
    %dma_wait3A_319 = tpu.memref_slice %arg6[%dma_wait3A_308, %dma_wait3A_317, %dma_wait3A_318] : memref<8x16x768xf32, #tpu.memory_space<vmem>> -> memref<1x16x768xf32, #tpu.memory_space<vmem>>
    %dma_wait3A_320 = tpu.memref_squeeze %dma_wait3A_319 : memref<1x16x768xf32, #tpu.memory_space<vmem>> -> memref<16x768xf32, #tpu.memory_space<vmem>>
    tpu.wait_dma2 semaphore(%arg19 : memref<!tpu.dma_semaphore, #tpu.memory_space<semaphore_mem>>) src(%dma_wait3A_320 : memref<16x768xf32, #tpu.memory_space<vmem>>) dst(%dma_wait3A_316 : memref<16x768xf32, #tpu.memory_space<hbm>>)
    %dma_start3A_321 = arith.constant 4 : i32
    %dma_start3A_322 = arith.constant 0 : i32
    %dma_start3A_323 = arith.constant 0 : i32
    %dma_start3A_324 = tpu.memref_slice %arg6[%dma_start3A_321, %dma_start3A_322, %dma_start3A_323] : memref<8x16x768xf32, #tpu.memory_space<vmem>> -> memref<1x16x768xf32, #tpu.memory_space<vmem>>
    %dma_start3A_325 = tpu.memref_squeeze %dma_start3A_324 : memref<1x16x768xf32, #tpu.memory_space<vmem>> -> memref<16x768xf32, #tpu.memory_space<vmem>>
    %dma_start3A_326 = arith.constant 192 : i32
    %dma_start3A_327 = tpu.memref_slice %arg5[%dma_start3A_326] : memref<256xi32, #tpu.memory_space<vmem>> -> memref<16xi32, #tpu.memory_space<vmem>>
    %dma_start3A_328 = arith.constant 0 : i32
    %dma_start3A_329 = arith.constant 0 : i32
    %dma_start3A_330 = tpu.memref_slice %arg3[%dma_start3A_328, %dma_start3A_329] : memref<100000x768xf32, #tpu.memory_space<hbm>> -> memref<100000x768xf32, #tpu.memory_space<hbm>>
    tpu.enqueue_indirect_dma source(%dma_start3A_330 : memref<100000x768xf32, #tpu.memory_space<hbm>>) target(%dma_start3A_325 : memref<16x768xf32, #tpu.memory_space<vmem>>) offsets(%dma_start3A_327 : memref<16xi32, #tpu.memory_space<vmem>>) semaphore(%arg11 : memref<!tpu.dma_semaphore, #tpu.memory_space<semaphore_mem>>)
    %dma_wait3A_331 = arith.constant 5 : i32
    %dma_wait3A_332 = arith.constant 0 : i32
    %dma_wait3A_333 = arith.constant 0 : i32
    %dma_wait3A_334 = tpu.memref_slice %arg6[%dma_wait3A_331, %dma_wait3A_332, %dma_wait3A_333] : memref<8x16x768xf32, #tpu.memory_space<vmem>> -> memref<1x16x768xf32, #tpu.memory_space<vmem>>
    %dma_wait3A_335 = tpu.memref_squeeze %dma_wait3A_334 : memref<1x16x768xf32, #tpu.memory_space<vmem>> -> memref<16x768xf32, #tpu.memory_space<vmem>>
    %dma_wait3A_336 = arith.constant 80 : i32
    %dma_wait3A_337 = tpu.memref_slice %arg5[%dma_wait3A_336] : memref<256xi32, #tpu.memory_space<vmem>> -> memref<16xi32, #tpu.memory_space<vmem>>
    %dma_wait3A_338 = arith.constant 0 : i32
    %dma_wait3A_339 = arith.constant 0 : i32
    %dma_wait3A_340 = tpu.memref_slice %arg3[%dma_wait3A_338, %dma_wait3A_339] : memref<100000x768xf32, #tpu.memory_space<hbm>> -> memref<100000x768xf32, #tpu.memory_space<hbm>>
    tpu.wait_indirect_dma semaphore(%arg12 : memref<!tpu.dma_semaphore, #tpu.memory_space<semaphore_mem>>) src(%dma_wait3A_340 : memref<100000x768xf32, #tpu.memory_space<hbm>>) dst(%dma_wait3A_335 : memref<16x768xf32, #tpu.memory_space<vmem>>)
    %add3A_341 = arith.constant 80 : i32
    %add3A_342 = arith.addi %multiple_of3A, %add3A_341 : i32
    %dma_start3A_343 = arith.constant 5 : i32
    %dma_start3A_344 = arith.constant 0 : i32
    %dma_start3A_345 = arith.constant 0 : i32
    %dma_start3A_346 = tpu.memref_slice %arg6[%dma_start3A_343, %dma_start3A_344, %dma_start3A_345] : memref<8x16x768xf32, #tpu.memory_space<vmem>> -> memref<1x16x768xf32, #tpu.memory_space<vmem>>
    %dma_start3A_347 = tpu.memref_squeeze %dma_start3A_346 : memref<1x16x768xf32, #tpu.memory_space<vmem>> -> memref<16x768xf32, #tpu.memory_space<vmem>>
    %dma_start3A_348 = arith.constant 0 : i32
    %dma_start3A_349 = tpu.memref_slice %arg4[%add3A_342, %dma_start3A_348] : memref<8192x768xf32, #tpu.memory_space<hbm>> -> memref<16x768xf32, #tpu.memory_space<hbm>>
    %dma_start3A_350 = arith.constant 0 : i32
    %dma_start3A_351 = tpu.memref_slice %arg4[%add3A_342, %dma_start3A_350] : memref<8192x768xf32, #tpu.memory_space<hbm>> -> memref<16x768xf32, #tpu.memory_space<hbm>>
    %dma_start3A_352 = arith.constant 0 : i32
    %dma_start3A_353 = arith.constant 0 : i32
    %dma_start3A_354 = tpu.memref_slice %arg6[%dma_start3A_343, %dma_start3A_352, %dma_start3A_353] : memref<8x16x768xf32, #tpu.memory_space<vmem>> -> memref<1x16x768xf32, #tpu.memory_space<vmem>>
    %dma_start3A_355 = tpu.memref_squeeze %dma_start3A_354 : memref<1x16x768xf32, #tpu.memory_space<vmem>> -> memref<16x768xf32, #tpu.memory_space<vmem>>
    tpu.enqueue_dma source(%dma_start3A_355 : memref<16x768xf32, #tpu.memory_space<vmem>>) target(%dma_start3A_351 : memref<16x768xf32, #tpu.memory_space<hbm>>) target_semaphore(%arg20 : memref<!tpu.dma_semaphore, #tpu.memory_space<semaphore_mem>>)
    %add3A_356 = arith.constant 80 : i32
    %add3A_357 = arith.addi %multiple_of3A, %add3A_356 : i32
    %dma_wait3A_358 = arith.constant 5 : i32
    %dma_wait3A_359 = arith.constant 0 : i32
    %dma_wait3A_360 = arith.constant 0 : i32
    %dma_wait3A_361 = tpu.memref_slice %arg6[%dma_wait3A_358, %dma_wait3A_359, %dma_wait3A_360] : memref<8x16x768xf32, #tpu.memory_space<vmem>> -> memref<1x16x768xf32, #tpu.memory_space<vmem>>
    %dma_wait3A_362 = tpu.memref_squeeze %dma_wait3A_361 : memref<1x16x768xf32, #tpu.memory_space<vmem>> -> memref<16x768xf32, #tpu.memory_space<vmem>>
    %dma_wait3A_363 = arith.constant 0 : i32
    %dma_wait3A_364 = tpu.memref_slice %arg4[%add3A_357, %dma_wait3A_363] : memref<8192x768xf32, #tpu.memory_space<hbm>> -> memref<16x768xf32, #tpu.memory_space<hbm>>
    %dma_wait3A_365 = arith.constant 0 : i32
    %dma_wait3A_366 = tpu.memref_slice %arg4[%add3A_357, %dma_wait3A_365] : memref<8192x768xf32, #tpu.memory_space<hbm>> -> memref<16x768xf32, #tpu.memory_space<hbm>>
    %dma_wait3A_367 = arith.constant 0 : i32
    %dma_wait3A_368 = arith.constant 0 : i32
    %dma_wait3A_369 = tpu.memref_slice %arg6[%dma_wait3A_358, %dma_wait3A_367, %dma_wait3A_368] : memref<8x16x768xf32, #tpu.memory_space<vmem>> -> memref<1x16x768xf32, #tpu.memory_space<vmem>>
    %dma_wait3A_370 = tpu.memref_squeeze %dma_wait3A_369 : memref<1x16x768xf32, #tpu.memory_space<vmem>> -> memref<16x768xf32, #tpu.memory_space<vmem>>
    tpu.wait_dma2 semaphore(%arg20 : memref<!tpu.dma_semaphore, #tpu.memory_space<semaphore_mem>>) src(%dma_wait3A_370 : memref<16x768xf32, #tpu.memory_space<vmem>>) dst(%dma_wait3A_366 : memref<16x768xf32, #tpu.memory_space<hbm>>)
    %dma_start3A_371 = arith.constant 5 : i32
    %dma_start3A_372 = arith.constant 0 : i32
    %dma_start3A_373 = arith.constant 0 : i32
    %dma_start3A_374 = tpu.memref_slice %arg6[%dma_start3A_371, %dma_start3A_372, %dma_start3A_373] : memref<8x16x768xf32, #tpu.memory_space<vmem>> -> memref<1x16x768xf32, #tpu.memory_space<vmem>>
    %dma_start3A_375 = tpu.memref_squeeze %dma_start3A_374 : memref<1x16x768xf32, #tpu.memory_space<vmem>> -> memref<16x768xf32, #tpu.memory_space<vmem>>
    %dma_start3A_376 = arith.constant 208 : i32
    %dma_start3A_377 = tpu.memref_slice %arg5[%dma_start3A_376] : memref<256xi32, #tpu.memory_space<vmem>> -> memref<16xi32, #tpu.memory_space<vmem>>
    %dma_start3A_378 = arith.constant 0 : i32
    %dma_start3A_379 = arith.constant 0 : i32
    %dma_start3A_380 = tpu.memref_slice %arg3[%dma_start3A_378, %dma_start3A_379] : memref<100000x768xf32, #tpu.memory_space<hbm>> -> memref<100000x768xf32, #tpu.memory_space<hbm>>
    tpu.enqueue_indirect_dma source(%dma_start3A_380 : memref<100000x768xf32, #tpu.memory_space<hbm>>) target(%dma_start3A_375 : memref<16x768xf32, #tpu.memory_space<vmem>>) offsets(%dma_start3A_377 : memref<16xi32, #tpu.memory_space<vmem>>) semaphore(%arg12 : memref<!tpu.dma_semaphore, #tpu.memory_space<semaphore_mem>>)
    %dma_wait3A_381 = arith.constant 6 : i32
    %dma_wait3A_382 = arith.constant 0 : i32
    %dma_wait3A_383 = arith.constant 0 : i32
    %dma_wait3A_384 = tpu.memref_slice %arg6[%dma_wait3A_381, %dma_wait3A_382, %dma_wait3A_383] : memref<8x16x768xf32, #tpu.memory_space<vmem>> -> memref<1x16x768xf32, #tpu.memory_space<vmem>>
    %dma_wait3A_385 = tpu.memref_squeeze %dma_wait3A_384 : memref<1x16x768xf32, #tpu.memory_space<vmem>> -> memref<16x768xf32, #tpu.memory_space<vmem>>
    %dma_wait3A_386 = arith.constant 96 : i32
    %dma_wait3A_387 = tpu.memref_slice %arg5[%dma_wait3A_386] : memref<256xi32, #tpu.memory_space<vmem>> -> memref<16xi32, #tpu.memory_space<vmem>>
    %dma_wait3A_388 = arith.constant 0 : i32
    %dma_wait3A_389 = arith.constant 0 : i32
    %dma_wait3A_390 = tpu.memref_slice %arg3[%dma_wait3A_388, %dma_wait3A_389] : memref<100000x768xf32, #tpu.memory_space<hbm>> -> memref<100000x768xf32, #tpu.memory_space<hbm>>
    tpu.wait_indirect_dma semaphore(%arg13 : memref<!tpu.dma_semaphore, #tpu.memory_space<semaphore_mem>>) src(%dma_wait3A_390 : memref<100000x768xf32, #tpu.memory_space<hbm>>) dst(%dma_wait3A_385 : memref<16x768xf32, #tpu.memory_space<vmem>>)
    %add3A_391 = arith.constant 96 : i32
    %add3A_392 = arith.addi %multiple_of3A, %add3A_391 : i32
    %dma_start3A_393 = arith.constant 6 : i32
    %dma_start3A_394 = arith.constant 0 : i32
    %dma_start3A_395 = arith.constant 0 : i32
    %dma_start3A_396 = tpu.memref_slice %arg6[%dma_start3A_393, %dma_start3A_394, %dma_start3A_395] : memref<8x16x768xf32, #tpu.memory_space<vmem>> -> memref<1x16x768xf32, #tpu.memory_space<vmem>>
    %dma_start3A_397 = tpu.memref_squeeze %dma_start3A_396 : memref<1x16x768xf32, #tpu.memory_space<vmem>> -> memref<16x768xf32, #tpu.memory_space<vmem>>
    %dma_start3A_398 = arith.constant 0 : i32
    %dma_start3A_399 = tpu.memref_slice %arg4[%add3A_392, %dma_start3A_398] : memref<8192x768xf32, #tpu.memory_space<hbm>> -> memref<16x768xf32, #tpu.memory_space<hbm>>
    %dma_start3A_400 = arith.constant 0 : i32
    %dma_start3A_401 = tpu.memref_slice %arg4[%add3A_392, %dma_start3A_400] : memref<8192x768xf32, #tpu.memory_space<hbm>> -> memref<16x768xf32, #tpu.memory_space<hbm>>
    %dma_start3A_402 = arith.constant 0 : i32
    %dma_start3A_403 = arith.constant 0 : i32
    %dma_start3A_404 = tpu.memref_slice %arg6[%dma_start3A_393, %dma_start3A_402, %dma_start3A_403] : memref<8x16x768xf32, #tpu.memory_space<vmem>> -> memref<1x16x768xf32, #tpu.memory_space<vmem>>
    %dma_start3A_405 = tpu.memref_squeeze %dma_start3A_404 : memref<1x16x768xf32, #tpu.memory_space<vmem>> -> memref<16x768xf32, #tpu.memory_space<vmem>>
    tpu.enqueue_dma source(%dma_start3A_405 : memref<16x768xf32, #tpu.memory_space<vmem>>) target(%dma_start3A_401 : memref<16x768xf32, #tpu.memory_space<hbm>>) target_semaphore(%arg21 : memref<!tpu.dma_semaphore, #tpu.memory_space<semaphore_mem>>)
    %add3A_406 = arith.constant 96 : i32
    %add3A_407 = arith.addi %multiple_of3A, %add3A_406 : i32
    %dma_wait3A_408 = arith.constant 6 : i32
    %dma_wait3A_409 = arith.constant 0 : i32
    %dma_wait3A_410 = arith.constant 0 : i32
    %dma_wait3A_411 = tpu.memref_slice %arg6[%dma_wait3A_408, %dma_wait3A_409, %dma_wait3A_410] : memref<8x16x768xf32, #tpu.memory_space<vmem>> -> memref<1x16x768xf32, #tpu.memory_space<vmem>>
    %dma_wait3A_412 = tpu.memref_squeeze %dma_wait3A_411 : memref<1x16x768xf32, #tpu.memory_space<vmem>> -> memref<16x768xf32, #tpu.memory_space<vmem>>
    %dma_wait3A_413 = arith.constant 0 : i32
    %dma_wait3A_414 = tpu.memref_slice %arg4[%add3A_407, %dma_wait3A_413] : memref<8192x768xf32, #tpu.memory_space<hbm>> -> memref<16x768xf32, #tpu.memory_space<hbm>>
    %dma_wait3A_415 = arith.constant 0 : i32
    %dma_wait3A_416 = tpu.memref_slice %arg4[%add3A_407, %dma_wait3A_415] : memref<8192x768xf32, #tpu.memory_space<hbm>> -> memref<16x768xf32, #tpu.memory_space<hbm>>
    %dma_wait3A_417 = arith.constant 0 : i32
    %dma_wait3A_418 = arith.constant 0 : i32
    %dma_wait3A_419 = tpu.memref_slice %arg6[%dma_wait3A_408, %dma_wait3A_417, %dma_wait3A_418] : memref<8x16x768xf32, #tpu.memory_space<vmem>> -> memref<1x16x768xf32, #tpu.memory_space<vmem>>
    %dma_wait3A_420 = tpu.memref_squeeze %dma_wait3A_419 : memref<1x16x768xf32, #tpu.memory_space<vmem>> -> memref<16x768xf32, #tpu.memory_space<vmem>>
    tpu.wait_dma2 semaphore(%arg21 : memref<!tpu.dma_semaphore, #tpu.memory_space<semaphore_mem>>) src(%dma_wait3A_420 : memref<16x768xf32, #tpu.memory_space<vmem>>) dst(%dma_wait3A_416 : memref<16x768xf32, #tpu.memory_space<hbm>>)
    %dma_start3A_421 = arith.constant 6 : i32
    %dma_start3A_422 = arith.constant 0 : i32
    %dma_start3A_423 = arith.constant 0 : i32
    %dma_start3A_424 = tpu.memref_slice %arg6[%dma_start3A_421, %dma_start3A_422, %dma_start3A_423] : memref<8x16x768xf32, #tpu.memory_space<vmem>> -> memref<1x16x768xf32, #tpu.memory_space<vmem>>
    %dma_start3A_425 = tpu.memref_squeeze %dma_start3A_424 : memref<1x16x768xf32, #tpu.memory_space<vmem>> -> memref<16x768xf32, #tpu.memory_space<vmem>>
    %dma_start3A_426 = arith.constant 224 : i32
    %dma_start3A_427 = tpu.memref_slice %arg5[%dma_start3A_426] : memref<256xi32, #tpu.memory_space<vmem>> -> memref<16xi32, #tpu.memory_space<vmem>>
    %dma_start3A_428 = arith.constant 0 : i32
    %dma_start3A_429 = arith.constant 0 : i32
    %dma_start3A_430 = tpu.memref_slice %arg3[%dma_start3A_428, %dma_start3A_429] : memref<100000x768xf32, #tpu.memory_space<hbm>> -> memref<100000x768xf32, #tpu.memory_space<hbm>>
    tpu.enqueue_indirect_dma source(%dma_start3A_430 : memref<100000x768xf32, #tpu.memory_space<hbm>>) target(%dma_start3A_425 : memref<16x768xf32, #tpu.memory_space<vmem>>) offsets(%dma_start3A_427 : memref<16xi32, #tpu.memory_space<vmem>>) semaphore(%arg13 : memref<!tpu.dma_semaphore, #tpu.memory_space<semaphore_mem>>)
    %dma_wait3A_431 = arith.constant 7 : i32
    %dma_wait3A_432 = arith.constant 0 : i32
    %dma_wait3A_433 = arith.constant 0 : i32
    %dma_wait3A_434 = tpu.memref_slice %arg6[%dma_wait3A_431, %dma_wait3A_432, %dma_wait3A_433] : memref<8x16x768xf32, #tpu.memory_space<vmem>> -> memref<1x16x768xf32, #tpu.memory_space<vmem>>
    %dma_wait3A_435 = tpu.memref_squeeze %dma_wait3A_434 : memref<1x16x768xf32, #tpu.memory_space<vmem>> -> memref<16x768xf32, #tpu.memory_space<vmem>>
    %dma_wait3A_436 = arith.constant 112 : i32
    %dma_wait3A_437 = tpu.memref_slice %arg5[%dma_wait3A_436] : memref<256xi32, #tpu.memory_space<vmem>> -> memref<16xi32, #tpu.memory_space<vmem>>
    %dma_wait3A_438 = arith.constant 0 : i32
    %dma_wait3A_439 = arith.constant 0 : i32
    %dma_wait3A_440 = tpu.memref_slice %arg3[%dma_wait3A_438, %dma_wait3A_439] : memref<100000x768xf32, #tpu.memory_space<hbm>> -> memref<100000x768xf32, #tpu.memory_space<hbm>>
    tpu.wait_indirect_dma semaphore(%arg14 : memref<!tpu.dma_semaphore, #tpu.memory_space<semaphore_mem>>) src(%dma_wait3A_440 : memref<100000x768xf32, #tpu.memory_space<hbm>>) dst(%dma_wait3A_435 : memref<16x768xf32, #tpu.memory_space<vmem>>)
    %add3A_441 = arith.constant 112 : i32
    %add3A_442 = arith.addi %multiple_of3A, %add3A_441 : i32
    %dma_start3A_443 = arith.constant 7 : i32
    %dma_start3A_444 = arith.constant 0 : i32
    %dma_start3A_445 = arith.constant 0 : i32
    %dma_start3A_446 = tpu.memref_slice %arg6[%dma_start3A_443, %dma_start3A_444, %dma_start3A_445] : memref<8x16x768xf32, #tpu.memory_space<vmem>> -> memref<1x16x768xf32, #tpu.memory_space<vmem>>
    %dma_start3A_447 = tpu.memref_squeeze %dma_start3A_446 : memref<1x16x768xf32, #tpu.memory_space<vmem>> -> memref<16x768xf32, #tpu.memory_space<vmem>>
    %dma_start3A_448 = arith.constant 0 : i32
    %dma_start3A_449 = tpu.memref_slice %arg4[%add3A_442, %dma_start3A_448] : memref<8192x768xf32, #tpu.memory_space<hbm>> -> memref<16x768xf32, #tpu.memory_space<hbm>>
    %dma_start3A_450 = arith.constant 0 : i32
    %dma_start3A_451 = tpu.memref_slice %arg4[%add3A_442, %dma_start3A_450] : memref<8192x768xf32, #tpu.memory_space<hbm>> -> memref<16x768xf32, #tpu.memory_space<hbm>>
    %dma_start3A_452 = arith.constant 0 : i32
    %dma_start3A_453 = arith.constant 0 : i32
    %dma_start3A_454 = tpu.memref_slice %arg6[%dma_start3A_443, %dma_start3A_452, %dma_start3A_453] : memref<8x16x768xf32, #tpu.memory_space<vmem>> -> memref<1x16x768xf32, #tpu.memory_space<vmem>>
    %dma_start3A_455 = tpu.memref_squeeze %dma_start3A_454 : memref<1x16x768xf32, #tpu.memory_space<vmem>> -> memref<16x768xf32, #tpu.memory_space<vmem>>
    tpu.enqueue_dma source(%dma_start3A_455 : memref<16x768xf32, #tpu.memory_space<vmem>>) target(%dma_start3A_451 : memref<16x768xf32, #tpu.memory_space<hbm>>) target_semaphore(%arg22 : memref<!tpu.dma_semaphore, #tpu.memory_space<semaphore_mem>>)
    %add3A_456 = arith.constant 112 : i32
    %add3A_457 = arith.addi %multiple_of3A, %add3A_456 : i32
    %dma_wait3A_458 = arith.constant 7 : i32
    %dma_wait3A_459 = arith.constant 0 : i32
    %dma_wait3A_460 = arith.constant 0 : i32
    %dma_wait3A_461 = tpu.memref_slice %arg6[%dma_wait3A_458, %dma_wait3A_459, %dma_wait3A_460] : memref<8x16x768xf32, #tpu.memory_space<vmem>> -> memref<1x16x768xf32, #tpu.memory_space<vmem>>
    %dma_wait3A_462 = tpu.memref_squeeze %dma_wait3A_461 : memref<1x16x768xf32, #tpu.memory_space<vmem>> -> memref<16x768xf32, #tpu.memory_space<vmem>>
    %dma_wait3A_463 = arith.constant 0 : i32
    %dma_wait3A_464 = tpu.memref_slice %arg4[%add3A_457, %dma_wait3A_463] : memref<8192x768xf32, #tpu.memory_space<hbm>> -> memref<16x768xf32, #tpu.memory_space<hbm>>
    %dma_wait3A_465 = arith.constant 0 : i32
    %dma_wait3A_466 = tpu.memref_slice %arg4[%add3A_457, %dma_wait3A_465] : memref<8192x768xf32, #tpu.memory_space<hbm>> -> memref<16x768xf32, #tpu.memory_space<hbm>>
    %dma_wait3A_467 = arith.constant 0 : i32
    %dma_wait3A_468 = arith.constant 0 : i32
    %dma_wait3A_469 = tpu.memref_slice %arg6[%dma_wait3A_458, %dma_wait3A_467, %dma_wait3A_468] : memref<8x16x768xf32, #tpu.memory_space<vmem>> -> memref<1x16x768xf32, #tpu.memory_space<vmem>>
    %dma_wait3A_470 = tpu.memref_squeeze %dma_wait3A_469 : memref<1x16x768xf32, #tpu.memory_space<vmem>> -> memref<16x768xf32, #tpu.memory_space<vmem>>
    tpu.wait_dma2 semaphore(%arg22 : memref<!tpu.dma_semaphore, #tpu.memory_space<semaphore_mem>>) src(%dma_wait3A_470 : memref<16x768xf32, #tpu.memory_space<vmem>>) dst(%dma_wait3A_466 : memref<16x768xf32, #tpu.memory_space<hbm>>)
    %dma_start3A_471 = arith.constant 7 : i32
    %dma_start3A_472 = arith.constant 0 : i32
    %dma_start3A_473 = arith.constant 0 : i32
    %dma_start3A_474 = tpu.memref_slice %arg6[%dma_start3A_471, %dma_start3A_472, %dma_start3A_473] : memref<8x16x768xf32, #tpu.memory_space<vmem>> -> memref<1x16x768xf32, #tpu.memory_space<vmem>>
    %dma_start3A_475 = tpu.memref_squeeze %dma_start3A_474 : memref<1x16x768xf32, #tpu.memory_space<vmem>> -> memref<16x768xf32, #tpu.memory_space<vmem>>
    %dma_start3A_476 = arith.constant 240 : i32
    %dma_start3A_477 = tpu.memref_slice %arg5[%dma_start3A_476] : memref<256xi32, #tpu.memory_space<vmem>> -> memref<16xi32, #tpu.memory_space<vmem>>
    %dma_start3A_478 = arith.constant 0 : i32
    %dma_start3A_479 = arith.constant 0 : i32
    %dma_start3A_480 = tpu.memref_slice %arg3[%dma_start3A_478, %dma_start3A_479] : memref<100000x768xf32, #tpu.memory_space<hbm>> -> memref<100000x768xf32, #tpu.memory_space<hbm>>
    tpu.enqueue_indirect_dma source(%dma_start3A_480 : memref<100000x768xf32, #tpu.memory_space<hbm>>) target(%dma_start3A_475 : memref<16x768xf32, #tpu.memory_space<vmem>>) offsets(%dma_start3A_477 : memref<16xi32, #tpu.memory_space<vmem>>) semaphore(%arg14 : memref<!tpu.dma_semaphore, #tpu.memory_space<semaphore_mem>>)
    %dma_wait3A_481 = arith.constant 0 : i32
    %dma_wait3A_482 = arith.constant 0 : i32
    %dma_wait3A_483 = arith.constant 0 : i32
    %dma_wait3A_484 = tpu.memref_slice %arg6[%dma_wait3A_481, %dma_wait3A_482, %dma_wait3A_483] : memref<8x16x768xf32, #tpu.memory_space<vmem>> -> memref<1x16x768xf32, #tpu.memory_space<vmem>>
    %dma_wait3A_485 = tpu.memref_squeeze %dma_wait3A_484 : memref<1x16x768xf32, #tpu.memory_space<vmem>> -> memref<16x768xf32, #tpu.memory_space<vmem>>
    %dma_wait3A_486 = arith.constant 128 : i32
    %dma_wait3A_487 = tpu.memref_slice %arg5[%dma_wait3A_486] : memref<256xi32, #tpu.memory_space<vmem>> -> memref<16xi32, #tpu.memory_space<vmem>>
    %dma_wait3A_488 = arith.constant 0 : i32
    %dma_wait3A_489 = arith.constant 0 : i32
    %dma_wait3A_490 = tpu.memref_slice %arg3[%dma_wait3A_488, %dma_wait3A_489] : memref<100000x768xf32, #tpu.memory_space<hbm>> -> memref<100000x768xf32, #tpu.memory_space<hbm>>
    tpu.wait_indirect_dma semaphore(%arg7 : memref<!tpu.dma_semaphore, #tpu.memory_space<semaphore_mem>>) src(%dma_wait3A_490 : memref<100000x768xf32, #tpu.memory_space<hbm>>) dst(%dma_wait3A_485 : memref<16x768xf32, #tpu.memory_space<vmem>>)
    %add3A_491 = arith.constant 128 : i32
    %add3A_492 = arith.addi %multiple_of3A, %add3A_491 : i32
    %dma_start3A_493 = arith.constant 0 : i32
    %dma_start3A_494 = arith.constant 0 : i32
    %dma_start3A_495 = arith.constant 0 : i32
    %dma_start3A_496 = tpu.memref_slice %arg6[%dma_start3A_493, %dma_start3A_494, %dma_start3A_495] : memref<8x16x768xf32, #tpu.memory_space<vmem>> -> memref<1x16x768xf32, #tpu.memory_space<vmem>>
    %dma_start3A_497 = tpu.memref_squeeze %dma_start3A_496 : memref<1x16x768xf32, #tpu.memory_space<vmem>> -> memref<16x768xf32, #tpu.memory_space<vmem>>
    %dma_start3A_498 = arith.constant 0 : i32
    %dma_start3A_499 = tpu.memref_slice %arg4[%add3A_492, %dma_start3A_498] : memref<8192x768xf32, #tpu.memory_space<hbm>> -> memref<16x768xf32, #tpu.memory_space<hbm>>
    %dma_start3A_500 = arith.constant 0 : i32
    %dma_start3A_501 = tpu.memref_slice %arg4[%add3A_492, %dma_start3A_500] : memref<8192x768xf32, #tpu.memory_space<hbm>> -> memref<16x768xf32, #tpu.memory_space<hbm>>
    %dma_start3A_502 = arith.constant 0 : i32
    %dma_start3A_503 = arith.constant 0 : i32
    %dma_start3A_504 = tpu.memref_slice %arg6[%dma_start3A_493, %dma_start3A_502, %dma_start3A_503] : memref<8x16x768xf32, #tpu.memory_space<vmem>> -> memref<1x16x768xf32, #tpu.memory_space<vmem>>
    %dma_start3A_505 = tpu.memref_squeeze %dma_start3A_504 : memref<1x16x768xf32, #tpu.memory_space<vmem>> -> memref<16x768xf32, #tpu.memory_space<vmem>>
    tpu.enqueue_dma source(%dma_start3A_505 : memref<16x768xf32, #tpu.memory_space<vmem>>) target(%dma_start3A_501 : memref<16x768xf32, #tpu.memory_space<hbm>>) target_semaphore(%arg15 : memref<!tpu.dma_semaphore, #tpu.memory_space<semaphore_mem>>)
    %dma_wait3A_506 = arith.constant 1 : i32
    %dma_wait3A_507 = arith.constant 0 : i32
    %dma_wait3A_508 = arith.constant 0 : i32
    %dma_wait3A_509 = tpu.memref_slice %arg6[%dma_wait3A_506, %dma_wait3A_507, %dma_wait3A_508] : memref<8x16x768xf32, #tpu.memory_space<vmem>> -> memref<1x16x768xf32, #tpu.memory_space<vmem>>
    %dma_wait3A_510 = tpu.memref_squeeze %dma_wait3A_509 : memref<1x16x768xf32, #tpu.memory_space<vmem>> -> memref<16x768xf32, #tpu.memory_space<vmem>>
    %dma_wait3A_511 = arith.constant 144 : i32
    %dma_wait3A_512 = tpu.memref_slice %arg5[%dma_wait3A_511] : memref<256xi32, #tpu.memory_space<vmem>> -> memref<16xi32, #tpu.memory_space<vmem>>
    %dma_wait3A_513 = arith.constant 0 : i32
    %dma_wait3A_514 = arith.constant 0 : i32
    %dma_wait3A_515 = tpu.memref_slice %arg3[%dma_wait3A_513, %dma_wait3A_514] : memref<100000x768xf32, #tpu.memory_space<hbm>> -> memref<100000x768xf32, #tpu.memory_space<hbm>>
    tpu.wait_indirect_dma semaphore(%arg8 : memref<!tpu.dma_semaphore, #tpu.memory_space<semaphore_mem>>) src(%dma_wait3A_515 : memref<100000x768xf32, #tpu.memory_space<hbm>>) dst(%dma_wait3A_510 : memref<16x768xf32, #tpu.memory_space<vmem>>)
    %add3A_516 = arith.constant 144 : i32
    %add3A_517 = arith.addi %multiple_of3A, %add3A_516 : i32
    %dma_start3A_518 = arith.constant 1 : i32
    %dma_start3A_519 = arith.constant 0 : i32
    %dma_start3A_520 = arith.constant 0 : i32
    %dma_start3A_521 = tpu.memref_slice %arg6[%dma_start3A_518, %dma_start3A_519, %dma_start3A_520] : memref<8x16x768xf32, #tpu.memory_space<vmem>> -> memref<1x16x768xf32, #tpu.memory_space<vmem>>
    %dma_start3A_522 = tpu.memref_squeeze %dma_start3A_521 : memref<1x16x768xf32, #tpu.memory_space<vmem>> -> memref<16x768xf32, #tpu.memory_space<vmem>>
    %dma_start3A_523 = arith.constant 0 : i32
    %dma_start3A_524 = tpu.memref_slice %arg4[%add3A_517, %dma_start3A_523] : memref<8192x768xf32, #tpu.memory_space<hbm>> -> memref<16x768xf32, #tpu.memory_space<hbm>>
    %dma_start3A_525 = arith.constant 0 : i32
    %dma_start3A_526 = tpu.memref_slice %arg4[%add3A_517, %dma_start3A_525] : memref<8192x768xf32, #tpu.memory_space<hbm>> -> memref<16x768xf32, #tpu.memory_space<hbm>>
    %dma_start3A_527 = arith.constant 0 : i32
    %dma_start3A_528 = arith.constant 0 : i32
    %dma_start3A_529 = tpu.memref_slice %arg6[%dma_start3A_518, %dma_start3A_527, %dma_start3A_528] : memref<8x16x768xf32, #tpu.memory_space<vmem>> -> memref<1x16x768xf32, #tpu.memory_space<vmem>>
    %dma_start3A_530 = tpu.memref_squeeze %dma_start3A_529 : memref<1x16x768xf32, #tpu.memory_space<vmem>> -> memref<16x768xf32, #tpu.memory_space<vmem>>
    tpu.enqueue_dma source(%dma_start3A_530 : memref<16x768xf32, #tpu.memory_space<vmem>>) target(%dma_start3A_526 : memref<16x768xf32, #tpu.memory_space<hbm>>) target_semaphore(%arg16 : memref<!tpu.dma_semaphore, #tpu.memory_space<semaphore_mem>>)
    %dma_wait3A_531 = arith.constant 2 : i32
    %dma_wait3A_532 = arith.constant 0 : i32
    %dma_wait3A_533 = arith.constant 0 : i32
    %dma_wait3A_534 = tpu.memref_slice %arg6[%dma_wait3A_531, %dma_wait3A_532, %dma_wait3A_533] : memref<8x16x768xf32, #tpu.memory_space<vmem>> -> memref<1x16x768xf32, #tpu.memory_space<vmem>>
    %dma_wait3A_535 = tpu.memref_squeeze %dma_wait3A_534 : memref<1x16x768xf32, #tpu.memory_space<vmem>> -> memref<16x768xf32, #tpu.memory_space<vmem>>
    %dma_wait3A_536 = arith.constant 160 : i32
    %dma_wait3A_537 = tpu.memref_slice %arg5[%dma_wait3A_536] : memref<256xi32, #tpu.memory_space<vmem>> -> memref<16xi32, #tpu.memory_space<vmem>>
    %dma_wait3A_538 = arith.constant 0 : i32
    %dma_wait3A_539 = arith.constant 0 : i32
    %dma_wait3A_540 = tpu.memref_slice %arg3[%dma_wait3A_538, %dma_wait3A_539] : memref<100000x768xf32, #tpu.memory_space<hbm>> -> memref<100000x768xf32, #tpu.memory_space<hbm>>
    tpu.wait_indirect_dma semaphore(%arg9 : memref<!tpu.dma_semaphore, #tpu.memory_space<semaphore_mem>>) src(%dma_wait3A_540 : memref<100000x768xf32, #tpu.memory_space<hbm>>) dst(%dma_wait3A_535 : memref<16x768xf32, #tpu.memory_space<vmem>>)
    %add3A_541 = arith.constant 160 : i32
    %add3A_542 = arith.addi %multiple_of3A, %add3A_541 : i32
    %dma_start3A_543 = arith.constant 2 : i32
    %dma_start3A_544 = arith.constant 0 : i32
    %dma_start3A_545 = arith.constant 0 : i32
    %dma_start3A_546 = tpu.memref_slice %arg6[%dma_start3A_543, %dma_start3A_544, %dma_start3A_545] : memref<8x16x768xf32, #tpu.memory_space<vmem>> -> memref<1x16x768xf32, #tpu.memory_space<vmem>>
    %dma_start3A_547 = tpu.memref_squeeze %dma_start3A_546 : memref<1x16x768xf32, #tpu.memory_space<vmem>> -> memref<16x768xf32, #tpu.memory_space<vmem>>
    %dma_start3A_548 = arith.constant 0 : i32
    %dma_start3A_549 = tpu.memref_slice %arg4[%add3A_542, %dma_start3A_548] : memref<8192x768xf32, #tpu.memory_space<hbm>> -> memref<16x768xf32, #tpu.memory_space<hbm>>
    %dma_start3A_550 = arith.constant 0 : i32
    %dma_start3A_551 = tpu.memref_slice %arg4[%add3A_542, %dma_start3A_550] : memref<8192x768xf32, #tpu.memory_space<hbm>> -> memref<16x768xf32, #tpu.memory_space<hbm>>
    %dma_start3A_552 = arith.constant 0 : i32
    %dma_start3A_553 = arith.constant 0 : i32
    %dma_start3A_554 = tpu.memref_slice %arg6[%dma_start3A_543, %dma_start3A_552, %dma_start3A_553] : memref<8x16x768xf32, #tpu.memory_space<vmem>> -> memref<1x16x768xf32, #tpu.memory_space<vmem>>
    %dma_start3A_555 = tpu.memref_squeeze %dma_start3A_554 : memref<1x16x768xf32, #tpu.memory_space<vmem>> -> memref<16x768xf32, #tpu.memory_space<vmem>>
    tpu.enqueue_dma source(%dma_start3A_555 : memref<16x768xf32, #tpu.memory_space<vmem>>) target(%dma_start3A_551 : memref<16x768xf32, #tpu.memory_space<hbm>>) target_semaphore(%arg17 : memref<!tpu.dma_semaphore, #tpu.memory_space<semaphore_mem>>)
    %dma_wait3A_556 = arith.constant 3 : i32
    %dma_wait3A_557 = arith.constant 0 : i32
    %dma_wait3A_558 = arith.constant 0 : i32
    %dma_wait3A_559 = tpu.memref_slice %arg6[%dma_wait3A_556, %dma_wait3A_557, %dma_wait3A_558] : memref<8x16x768xf32, #tpu.memory_space<vmem>> -> memref<1x16x768xf32, #tpu.memory_space<vmem>>
    %dma_wait3A_560 = tpu.memref_squeeze %dma_wait3A_559 : memref<1x16x768xf32, #tpu.memory_space<vmem>> -> memref<16x768xf32, #tpu.memory_space<vmem>>
    %dma_wait3A_561 = arith.constant 176 : i32
    %dma_wait3A_562 = tpu.memref_slice %arg5[%dma_wait3A_561] : memref<256xi32, #tpu.memory_space<vmem>> -> memref<16xi32, #tpu.memory_space<vmem>>
    %dma_wait3A_563 = arith.constant 0 : i32
    %dma_wait3A_564 = arith.constant 0 : i32
    %dma_wait3A_565 = tpu.memref_slice %arg3[%dma_wait3A_563, %dma_wait3A_564] : memref<100000x768xf32, #tpu.memory_space<hbm>> -> memref<100000x768xf32, #tpu.memory_space<hbm>>
    tpu.wait_indirect_dma semaphore(%arg10 : memref<!tpu.dma_semaphore, #tpu.memory_space<semaphore_mem>>) src(%dma_wait3A_565 : memref<100000x768xf32, #tpu.memory_space<hbm>>) dst(%dma_wait3A_560 : memref<16x768xf32, #tpu.memory_space<vmem>>)
    %add3A_566 = arith.constant 176 : i32
    %add3A_567 = arith.addi %multiple_of3A, %add3A_566 : i32
    %dma_start3A_568 = arith.constant 3 : i32
    %dma_start3A_569 = arith.constant 0 : i32
    %dma_start3A_570 = arith.constant 0 : i32
    %dma_start3A_571 = tpu.memref_slice %arg6[%dma_start3A_568, %dma_start3A_569, %dma_start3A_570] : memref<8x16x768xf32, #tpu.memory_space<vmem>> -> memref<1x16x768xf32, #tpu.memory_space<vmem>>
    %dma_start3A_572 = tpu.memref_squeeze %dma_start3A_571 : memref<1x16x768xf32, #tpu.memory_space<vmem>> -> memref<16x768xf32, #tpu.memory_space<vmem>>
    %dma_start3A_573 = arith.constant 0 : i32
    %dma_start3A_574 = tpu.memref_slice %arg4[%add3A_567, %dma_start3A_573] : memref<8192x768xf32, #tpu.memory_space<hbm>> -> memref<16x768xf32, #tpu.memory_space<hbm>>
    %dma_start3A_575 = arith.constant 0 : i32
    %dma_start3A_576 = tpu.memref_slice %arg4[%add3A_567, %dma_start3A_575] : memref<8192x768xf32, #tpu.memory_space<hbm>> -> memref<16x768xf32, #tpu.memory_space<hbm>>
    %dma_start3A_577 = arith.constant 0 : i32
    %dma_start3A_578 = arith.constant 0 : i32
    %dma_start3A_579 = tpu.memref_slice %arg6[%dma_start3A_568, %dma_start3A_577, %dma_start3A_578] : memref<8x16x768xf32, #tpu.memory_space<vmem>> -> memref<1x16x768xf32, #tpu.memory_space<vmem>>
    %dma_start3A_580 = tpu.memref_squeeze %dma_start3A_579 : memref<1x16x768xf32, #tpu.memory_space<vmem>> -> memref<16x768xf32, #tpu.memory_space<vmem>>
    tpu.enqueue_dma source(%dma_start3A_580 : memref<16x768xf32, #tpu.memory_space<vmem>>) target(%dma_start3A_576 : memref<16x768xf32, #tpu.memory_space<hbm>>) target_semaphore(%arg18 : memref<!tpu.dma_semaphore, #tpu.memory_space<semaphore_mem>>)
    %dma_wait3A_581 = arith.constant 4 : i32
    %dma_wait3A_582 = arith.constant 0 : i32
    %dma_wait3A_583 = arith.constant 0 : i32
    %dma_wait3A_584 = tpu.memref_slice %arg6[%dma_wait3A_581, %dma_wait3A_582, %dma_wait3A_583] : memref<8x16x768xf32, #tpu.memory_space<vmem>> -> memref<1x16x768xf32, #tpu.memory_space<vmem>>
    %dma_wait3A_585 = tpu.memref_squeeze %dma_wait3A_584 : memref<1x16x768xf32, #tpu.memory_space<vmem>> -> memref<16x768xf32, #tpu.memory_space<vmem>>
    %dma_wait3A_586 = arith.constant 192 : i32
    %dma_wait3A_587 = tpu.memref_slice %arg5[%dma_wait3A_586] : memref<256xi32, #tpu.memory_space<vmem>> -> memref<16xi32, #tpu.memory_space<vmem>>
    %dma_wait3A_588 = arith.constant 0 : i32
    %dma_wait3A_589 = arith.constant 0 : i32
    %dma_wait3A_590 = tpu.memref_slice %arg3[%dma_wait3A_588, %dma_wait3A_589] : memref<100000x768xf32, #tpu.memory_space<hbm>> -> memref<100000x768xf32, #tpu.memory_space<hbm>>
    tpu.wait_indirect_dma semaphore(%arg11 : memref<!tpu.dma_semaphore, #tpu.memory_space<semaphore_mem>>) src(%dma_wait3A_590 : memref<100000x768xf32, #tpu.memory_space<hbm>>) dst(%dma_wait3A_585 : memref<16x768xf32, #tpu.memory_space<vmem>>)
    %add3A_591 = arith.constant 192 : i32
    %add3A_592 = arith.addi %multiple_of3A, %add3A_591 : i32
    %dma_start3A_593 = arith.constant 4 : i32
    %dma_start3A_594 = arith.constant 0 : i32
    %dma_start3A_595 = arith.constant 0 : i32
    %dma_start3A_596 = tpu.memref_slice %arg6[%dma_start3A_593, %dma_start3A_594, %dma_start3A_595] : memref<8x16x768xf32, #tpu.memory_space<vmem>> -> memref<1x16x768xf32, #tpu.memory_space<vmem>>
    %dma_start3A_597 = tpu.memref_squeeze %dma_start3A_596 : memref<1x16x768xf32, #tpu.memory_space<vmem>> -> memref<16x768xf32, #tpu.memory_space<vmem>>
    %dma_start3A_598 = arith.constant 0 : i32
    %dma_start3A_599 = tpu.memref_slice %arg4[%add3A_592, %dma_start3A_598] : memref<8192x768xf32, #tpu.memory_space<hbm>> -> memref<16x768xf32, #tpu.memory_space<hbm>>
    %dma_start3A_600 = arith.constant 0 : i32
    %dma_start3A_601 = tpu.memref_slice %arg4[%add3A_592, %dma_start3A_600] : memref<8192x768xf32, #tpu.memory_space<hbm>> -> memref<16x768xf32, #tpu.memory_space<hbm>>
    %dma_start3A_602 = arith.constant 0 : i32
    %dma_start3A_603 = arith.constant 0 : i32
    %dma_start3A_604 = tpu.memref_slice %arg6[%dma_start3A_593, %dma_start3A_602, %dma_start3A_603] : memref<8x16x768xf32, #tpu.memory_space<vmem>> -> memref<1x16x768xf32, #tpu.memory_space<vmem>>
    %dma_start3A_605 = tpu.memref_squeeze %dma_start3A_604 : memref<1x16x768xf32, #tpu.memory_space<vmem>> -> memref<16x768xf32, #tpu.memory_space<vmem>>
    tpu.enqueue_dma source(%dma_start3A_605 : memref<16x768xf32, #tpu.memory_space<vmem>>) target(%dma_start3A_601 : memref<16x768xf32, #tpu.memory_space<hbm>>) target_semaphore(%arg19 : memref<!tpu.dma_semaphore, #tpu.memory_space<semaphore_mem>>)
    %dma_wait3A_606 = arith.constant 5 : i32
    %dma_wait3A_607 = arith.constant 0 : i32
    %dma_wait3A_608 = arith.constant 0 : i32
    %dma_wait3A_609 = tpu.memref_slice %arg6[%dma_wait3A_606, %dma_wait3A_607, %dma_wait3A_608] : memref<8x16x768xf32, #tpu.memory_space<vmem>> -> memref<1x16x768xf32, #tpu.memory_space<vmem>>
    %dma_wait3A_610 = tpu.memref_squeeze %dma_wait3A_609 : memref<1x16x768xf32, #tpu.memory_space<vmem>> -> memref<16x768xf32, #tpu.memory_space<vmem>>
    %dma_wait3A_611 = arith.constant 208 : i32
    %dma_wait3A_612 = tpu.memref_slice %arg5[%dma_wait3A_611] : memref<256xi32, #tpu.memory_space<vmem>> -> memref<16xi32, #tpu.memory_space<vmem>>
    %dma_wait3A_613 = arith.constant 0 : i32
    %dma_wait3A_614 = arith.constant 0 : i32
    %dma_wait3A_615 = tpu.memref_slice %arg3[%dma_wait3A_613, %dma_wait3A_614] : memref<100000x768xf32, #tpu.memory_space<hbm>> -> memref<100000x768xf32, #tpu.memory_space<hbm>>
    tpu.wait_indirect_dma semaphore(%arg12 : memref<!tpu.dma_semaphore, #tpu.memory_space<semaphore_mem>>) src(%dma_wait3A_615 : memref<100000x768xf32, #tpu.memory_space<hbm>>) dst(%dma_wait3A_610 : memref<16x768xf32, #tpu.memory_space<vmem>>)
    %add3A_616 = arith.constant 208 : i32
    %add3A_617 = arith.addi %multiple_of3A, %add3A_616 : i32
    %dma_start3A_618 = arith.constant 5 : i32
    %dma_start3A_619 = arith.constant 0 : i32
    %dma_start3A_620 = arith.constant 0 : i32
    %dma_start3A_621 = tpu.memref_slice %arg6[%dma_start3A_618, %dma_start3A_619, %dma_start3A_620] : memref<8x16x768xf32, #tpu.memory_space<vmem>> -> memref<1x16x768xf32, #tpu.memory_space<vmem>>
    %dma_start3A_622 = tpu.memref_squeeze %dma_start3A_621 : memref<1x16x768xf32, #tpu.memory_space<vmem>> -> memref<16x768xf32, #tpu.memory_space<vmem>>
    %dma_start3A_623 = arith.constant 0 : i32
    %dma_start3A_624 = tpu.memref_slice %arg4[%add3A_617, %dma_start3A_623] : memref<8192x768xf32, #tpu.memory_space<hbm>> -> memref<16x768xf32, #tpu.memory_space<hbm>>
    %dma_start3A_625 = arith.constant 0 : i32
    %dma_start3A_626 = tpu.memref_slice %arg4[%add3A_617, %dma_start3A_625] : memref<8192x768xf32, #tpu.memory_space<hbm>> -> memref<16x768xf32, #tpu.memory_space<hbm>>
    %dma_start3A_627 = arith.constant 0 : i32
    %dma_start3A_628 = arith.constant 0 : i32
    %dma_start3A_629 = tpu.memref_slice %arg6[%dma_start3A_618, %dma_start3A_627, %dma_start3A_628] : memref<8x16x768xf32, #tpu.memory_space<vmem>> -> memref<1x16x768xf32, #tpu.memory_space<vmem>>
    %dma_start3A_630 = tpu.memref_squeeze %dma_start3A_629 : memref<1x16x768xf32, #tpu.memory_space<vmem>> -> memref<16x768xf32, #tpu.memory_space<vmem>>
    tpu.enqueue_dma source(%dma_start3A_630 : memref<16x768xf32, #tpu.memory_space<vmem>>) target(%dma_start3A_626 : memref<16x768xf32, #tpu.memory_space<hbm>>) target_semaphore(%arg20 : memref<!tpu.dma_semaphore, #tpu.memory_space<semaphore_mem>>)
    %dma_wait3A_631 = arith.constant 6 : i32
    %dma_wait3A_632 = arith.constant 0 : i32
    %dma_wait3A_633 = arith.constant 0 : i32
    %dma_wait3A_634 = tpu.memref_slice %arg6[%dma_wait3A_631, %dma_wait3A_632, %dma_wait3A_633] : memref<8x16x768xf32, #tpu.memory_space<vmem>> -> memref<1x16x768xf32, #tpu.memory_space<vmem>>
    %dma_wait3A_635 = tpu.memref_squeeze %dma_wait3A_634 : memref<1x16x768xf32, #tpu.memory_space<vmem>> -> memref<16x768xf32, #tpu.memory_space<vmem>>
    %dma_wait3A_636 = arith.constant 224 : i32
    %dma_wait3A_637 = tpu.memref_slice %arg5[%dma_wait3A_636] : memref<256xi32, #tpu.memory_space<vmem>> -> memref<16xi32, #tpu.memory_space<vmem>>
    %dma_wait3A_638 = arith.constant 0 : i32
    %dma_wait3A_639 = arith.constant 0 : i32
    %dma_wait3A_640 = tpu.memref_slice %arg3[%dma_wait3A_638, %dma_wait3A_639] : memref<100000x768xf32, #tpu.memory_space<hbm>> -> memref<100000x768xf32, #tpu.memory_space<hbm>>
    tpu.wait_indirect_dma semaphore(%arg13 : memref<!tpu.dma_semaphore, #tpu.memory_space<semaphore_mem>>) src(%dma_wait3A_640 : memref<100000x768xf32, #tpu.memory_space<hbm>>) dst(%dma_wait3A_635 : memref<16x768xf32, #tpu.memory_space<vmem>>)
    %add3A_641 = arith.constant 224 : i32
    %add3A_642 = arith.addi %multiple_of3A, %add3A_641 : i32
    %dma_start3A_643 = arith.constant 6 : i32
    %dma_start3A_644 = arith.constant 0 : i32
    %dma_start3A_645 = arith.constant 0 : i32
    %dma_start3A_646 = tpu.memref_slice %arg6[%dma_start3A_643, %dma_start3A_644, %dma_start3A_645] : memref<8x16x768xf32, #tpu.memory_space<vmem>> -> memref<1x16x768xf32, #tpu.memory_space<vmem>>
    %dma_start3A_647 = tpu.memref_squeeze %dma_start3A_646 : memref<1x16x768xf32, #tpu.memory_space<vmem>> -> memref<16x768xf32, #tpu.memory_space<vmem>>
    %dma_start3A_648 = arith.constant 0 : i32
    %dma_start3A_649 = tpu.memref_slice %arg4[%add3A_642, %dma_start3A_648] : memref<8192x768xf32, #tpu.memory_space<hbm>> -> memref<16x768xf32, #tpu.memory_space<hbm>>
    %dma_start3A_650 = arith.constant 0 : i32
    %dma_start3A_651 = tpu.memref_slice %arg4[%add3A_642, %dma_start3A_650] : memref<8192x768xf32, #tpu.memory_space<hbm>> -> memref<16x768xf32, #tpu.memory_space<hbm>>
    %dma_start3A_652 = arith.constant 0 : i32
    %dma_start3A_653 = arith.constant 0 : i32
    %dma_start3A_654 = tpu.memref_slice %arg6[%dma_start3A_643, %dma_start3A_652, %dma_start3A_653] : memref<8x16x768xf32, #tpu.memory_space<vmem>> -> memref<1x16x768xf32, #tpu.memory_space<vmem>>
    %dma_start3A_655 = tpu.memref_squeeze %dma_start3A_654 : memref<1x16x768xf32, #tpu.memory_space<vmem>> -> memref<16x768xf32, #tpu.memory_space<vmem>>
    tpu.enqueue_dma source(%dma_start3A_655 : memref<16x768xf32, #tpu.memory_space<vmem>>) target(%dma_start3A_651 : memref<16x768xf32, #tpu.memory_space<hbm>>) target_semaphore(%arg21 : memref<!tpu.dma_semaphore, #tpu.memory_space<semaphore_mem>>)
    %dma_wait3A_656 = arith.constant 7 : i32
    %dma_wait3A_657 = arith.constant 0 : i32
    %dma_wait3A_658 = arith.constant 0 : i32
    %dma_wait3A_659 = tpu.memref_slice %arg6[%dma_wait3A_656, %dma_wait3A_657, %dma_wait3A_658] : memref<8x16x768xf32, #tpu.memory_space<vmem>> -> memref<1x16x768xf32, #tpu.memory_space<vmem>>
    %dma_wait3A_660 = tpu.memref_squeeze %dma_wait3A_659 : memref<1x16x768xf32, #tpu.memory_space<vmem>> -> memref<16x768xf32, #tpu.memory_space<vmem>>
    %dma_wait3A_661 = arith.constant 240 : i32
    %dma_wait3A_662 = tpu.memref_slice %arg5[%dma_wait3A_661] : memref<256xi32, #tpu.memory_space<vmem>> -> memref<16xi32, #tpu.memory_space<vmem>>
    %dma_wait3A_663 = arith.constant 0 : i32
    %dma_wait3A_664 = arith.constant 0 : i32
    %dma_wait3A_665 = tpu.memref_slice %arg3[%dma_wait3A_663, %dma_wait3A_664] : memref<100000x768xf32, #tpu.memory_space<hbm>> -> memref<100000x768xf32, #tpu.memory_space<hbm>>
    tpu.wait_indirect_dma semaphore(%arg14 : memref<!tpu.dma_semaphore, #tpu.memory_space<semaphore_mem>>) src(%dma_wait3A_665 : memref<100000x768xf32, #tpu.memory_space<hbm>>) dst(%dma_wait3A_660 : memref<16x768xf32, #tpu.memory_space<vmem>>)
    %add3A_666 = arith.constant 240 : i32
    %add3A_667 = arith.addi %multiple_of3A, %add3A_666 : i32
    %dma_start3A_668 = arith.constant 7 : i32
    %dma_start3A_669 = arith.constant 0 : i32
    %dma_start3A_670 = arith.constant 0 : i32
    %dma_start3A_671 = tpu.memref_slice %arg6[%dma_start3A_668, %dma_start3A_669, %dma_start3A_670] : memref<8x16x768xf32, #tpu.memory_space<vmem>> -> memref<1x16x768xf32, #tpu.memory_space<vmem>>
    %dma_start3A_672 = tpu.memref_squeeze %dma_start3A_671 : memref<1x16x768xf32, #tpu.memory_space<vmem>> -> memref<16x768xf32, #tpu.memory_space<vmem>>
    %dma_start3A_673 = arith.constant 0 : i32
    %dma_start3A_674 = tpu.memref_slice %arg4[%add3A_667, %dma_start3A_673] : memref<8192x768xf32, #tpu.memory_space<hbm>> -> memref<16x768xf32, #tpu.memory_space<hbm>>
    %dma_start3A_675 = arith.constant 0 : i32
    %dma_start3A_676 = tpu.memref_slice %arg4[%add3A_667, %dma_start3A_675] : memref<8192x768xf32, #tpu.memory_space<hbm>> -> memref<16x768xf32, #tpu.memory_space<hbm>>
    %dma_start3A_677 = arith.constant 0 : i32
    %dma_start3A_678 = arith.constant 0 : i32
    %dma_start3A_679 = tpu.memref_slice %arg6[%dma_start3A_668, %dma_start3A_677, %dma_start3A_678] : memref<8x16x768xf32, #tpu.memory_space<vmem>> -> memref<1x16x768xf32, #tpu.memory_space<vmem>>
    %dma_start3A_680 = tpu.memref_squeeze %dma_start3A_679 : memref<1x16x768xf32, #tpu.memory_space<vmem>> -> memref<16x768xf32, #tpu.memory_space<vmem>>
    tpu.enqueue_dma source(%dma_start3A_680 : memref<16x768xf32, #tpu.memory_space<vmem>>) target(%dma_start3A_676 : memref<16x768xf32, #tpu.memory_space<hbm>>) target_semaphore(%arg22 : memref<!tpu.dma_semaphore, #tpu.memory_space<semaphore_mem>>)
    %add3A_681 = arith.constant 128 : i32
    %add3A_682 = arith.addi %multiple_of3A, %add3A_681 : i32
    %dma_wait3A_683 = arith.constant 0 : i32
    %dma_wait3A_684 = arith.constant 0 : i32
    %dma_wait3A_685 = arith.constant 0 : i32
    %dma_wait3A_686 = tpu.memref_slice %arg6[%dma_wait3A_683, %dma_wait3A_684, %dma_wait3A_685] : memref<8x16x768xf32, #tpu.memory_space<vmem>> -> memref<1x16x768xf32, #tpu.memory_space<vmem>>
    %dma_wait3A_687 = tpu.memref_squeeze %dma_wait3A_686 : memref<1x16x768xf32, #tpu.memory_space<vmem>> -> memref<16x768xf32, #tpu.memory_space<vmem>>
    %dma_wait3A_688 = arith.constant 0 : i32
    %dma_wait3A_689 = tpu.memref_slice %arg4[%add3A_682, %dma_wait3A_688] : memref<8192x768xf32, #tpu.memory_space<hbm>> -> memref<16x768xf32, #tpu.memory_space<hbm>>
    %dma_wait3A_690 = arith.constant 0 : i32
    %dma_wait3A_691 = tpu.memref_slice %arg4[%add3A_682, %dma_wait3A_690] : memref<8192x768xf32, #tpu.memory_space<hbm>> -> memref<16x768xf32, #tpu.memory_space<hbm>>
    %dma_wait3A_692 = arith.constant 0 : i32
    %dma_wait3A_693 = arith.constant 0 : i32
    %dma_wait3A_694 = tpu.memref_slice %arg6[%dma_wait3A_683, %dma_wait3A_692, %dma_wait3A_693] : memref<8x16x768xf32, #tpu.memory_space<vmem>> -> memref<1x16x768xf32, #tpu.memory_space<vmem>>
    %dma_wait3A_695 = tpu.memref_squeeze %dma_wait3A_694 : memref<1x16x768xf32, #tpu.memory_space<vmem>> -> memref<16x768xf32, #tpu.memory_space<vmem>>
    tpu.wait_dma2 semaphore(%arg15 : memref<!tpu.dma_semaphore, #tpu.memory_space<semaphore_mem>>) src(%dma_wait3A_695 : memref<16x768xf32, #tpu.memory_space<vmem>>) dst(%dma_wait3A_691 : memref<16x768xf32, #tpu.memory_space<hbm>>)
    %add3A_696 = arith.constant 144 : i32
    %add3A_697 = arith.addi %multiple_of3A, %add3A_696 : i32
    %dma_wait3A_698 = arith.constant 1 : i32
    %dma_wait3A_699 = arith.constant 0 : i32
    %dma_wait3A_700 = arith.constant 0 : i32
    %dma_wait3A_701 = tpu.memref_slice %arg6[%dma_wait3A_698, %dma_wait3A_699, %dma_wait3A_700] : memref<8x16x768xf32, #tpu.memory_space<vmem>> -> memref<1x16x768xf32, #tpu.memory_space<vmem>>
    %dma_wait3A_702 = tpu.memref_squeeze %dma_wait3A_701 : memref<1x16x768xf32, #tpu.memory_space<vmem>> -> memref<16x768xf32, #tpu.memory_space<vmem>>
    %dma_wait3A_703 = arith.constant 0 : i32
    %dma_wait3A_704 = tpu.memref_slice %arg4[%add3A_697, %dma_wait3A_703] : memref<8192x768xf32, #tpu.memory_space<hbm>> -> memref<16x768xf32, #tpu.memory_space<hbm>>
    %dma_wait3A_705 = arith.constant 0 : i32
    %dma_wait3A_706 = tpu.memref_slice %arg4[%add3A_697, %dma_wait3A_705] : memref<8192x768xf32, #tpu.memory_space<hbm>> -> memref<16x768xf32, #tpu.memory_space<hbm>>
    %dma_wait3A_707 = arith.constant 0 : i32
    %dma_wait3A_708 = arith.constant 0 : i32
    %dma_wait3A_709 = tpu.memref_slice %arg6[%dma_wait3A_698, %dma_wait3A_707, %dma_wait3A_708] : memref<8x16x768xf32, #tpu.memory_space<vmem>> -> memref<1x16x768xf32, #tpu.memory_space<vmem>>
    %dma_wait3A_710 = tpu.memref_squeeze %dma_wait3A_709 : memref<1x16x768xf32, #tpu.memory_space<vmem>> -> memref<16x768xf32, #tpu.memory_space<vmem>>
    tpu.wait_dma2 semaphore(%arg16 : memref<!tpu.dma_semaphore, #tpu.memory_space<semaphore_mem>>) src(%dma_wait3A_710 : memref<16x768xf32, #tpu.memory_space<vmem>>) dst(%dma_wait3A_706 : memref<16x768xf32, #tpu.memory_space<hbm>>)
    %add3A_711 = arith.constant 160 : i32
    %add3A_712 = arith.addi %multiple_of3A, %add3A_711 : i32
    %dma_wait3A_713 = arith.constant 2 : i32
    %dma_wait3A_714 = arith.constant 0 : i32
    %dma_wait3A_715 = arith.constant 0 : i32
    %dma_wait3A_716 = tpu.memref_slice %arg6[%dma_wait3A_713, %dma_wait3A_714, %dma_wait3A_715] : memref<8x16x768xf32, #tpu.memory_space<vmem>> -> memref<1x16x768xf32, #tpu.memory_space<vmem>>
    %dma_wait3A_717 = tpu.memref_squeeze %dma_wait3A_716 : memref<1x16x768xf32, #tpu.memory_space<vmem>> -> memref<16x768xf32, #tpu.memory_space<vmem>>
    %dma_wait3A_718 = arith.constant 0 : i32
    %dma_wait3A_719 = tpu.memref_slice %arg4[%add3A_712, %dma_wait3A_718] : memref<8192x768xf32, #tpu.memory_space<hbm>> -> memref<16x768xf32, #tpu.memory_space<hbm>>
    %dma_wait3A_720 = arith.constant 0 : i32
    %dma_wait3A_721 = tpu.memref_slice %arg4[%add3A_712, %dma_wait3A_720] : memref<8192x768xf32, #tpu.memory_space<hbm>> -> memref<16x768xf32, #tpu.memory_space<hbm>>
    %dma_wait3A_722 = arith.constant 0 : i32
    %dma_wait3A_723 = arith.constant 0 : i32
    %dma_wait3A_724 = tpu.memref_slice %arg6[%dma_wait3A_713, %dma_wait3A_722, %dma_wait3A_723] : memref<8x16x768xf32, #tpu.memory_space<vmem>> -> memref<1x16x768xf32, #tpu.memory_space<vmem>>
    %dma_wait3A_725 = tpu.memref_squeeze %dma_wait3A_724 : memref<1x16x768xf32, #tpu.memory_space<vmem>> -> memref<16x768xf32, #tpu.memory_space<vmem>>
    tpu.wait_dma2 semaphore(%arg17 : memref<!tpu.dma_semaphore, #tpu.memory_space<semaphore_mem>>) src(%dma_wait3A_725 : memref<16x768xf32, #tpu.memory_space<vmem>>) dst(%dma_wait3A_721 : memref<16x768xf32, #tpu.memory_space<hbm>>)
    %add3A_726 = arith.constant 176 : i32
    %add3A_727 = arith.addi %multiple_of3A, %add3A_726 : i32
    %dma_wait3A_728 = arith.constant 3 : i32
    %dma_wait3A_729 = arith.constant 0 : i32
    %dma_wait3A_730 = arith.constant 0 : i32
    %dma_wait3A_731 = tpu.memref_slice %arg6[%dma_wait3A_728, %dma_wait3A_729, %dma_wait3A_730] : memref<8x16x768xf32, #tpu.memory_space<vmem>> -> memref<1x16x768xf32, #tpu.memory_space<vmem>>
    %dma_wait3A_732 = tpu.memref_squeeze %dma_wait3A_731 : memref<1x16x768xf32, #tpu.memory_space<vmem>> -> memref<16x768xf32, #tpu.memory_space<vmem>>
    %dma_wait3A_733 = arith.constant 0 : i32
    %dma_wait3A_734 = tpu.memref_slice %arg4[%add3A_727, %dma_wait3A_733] : memref<8192x768xf32, #tpu.memory_space<hbm>> -> memref<16x768xf32, #tpu.memory_space<hbm>>
    %dma_wait3A_735 = arith.constant 0 : i32
    %dma_wait3A_736 = tpu.memref_slice %arg4[%add3A_727, %dma_wait3A_735] : memref<8192x768xf32, #tpu.memory_space<hbm>> -> memref<16x768xf32, #tpu.memory_space<hbm>>
    %dma_wait3A_737 = arith.constant 0 : i32
    %dma_wait3A_738 = arith.constant 0 : i32
    %dma_wait3A_739 = tpu.memref_slice %arg6[%dma_wait3A_728, %dma_wait3A_737, %dma_wait3A_738] : memref<8x16x768xf32, #tpu.memory_space<vmem>> -> memref<1x16x768xf32, #tpu.memory_space<vmem>>
    %dma_wait3A_740 = tpu.memref_squeeze %dma_wait3A_739 : memref<1x16x768xf32, #tpu.memory_space<vmem>> -> memref<16x768xf32, #tpu.memory_space<vmem>>
    tpu.wait_dma2 semaphore(%arg18 : memref<!tpu.dma_semaphore, #tpu.memory_space<semaphore_mem>>) src(%dma_wait3A_740 : memref<16x768xf32, #tpu.memory_space<vmem>>) dst(%dma_wait3A_736 : memref<16x768xf32, #tpu.memory_space<hbm>>)
    %add3A_741 = arith.constant 192 : i32
    %add3A_742 = arith.addi %multiple_of3A, %add3A_741 : i32
    %dma_wait3A_743 = arith.constant 4 : i32
    %dma_wait3A_744 = arith.constant 0 : i32
    %dma_wait3A_745 = arith.constant 0 : i32
    %dma_wait3A_746 = tpu.memref_slice %arg6[%dma_wait3A_743, %dma_wait3A_744, %dma_wait3A_745] : memref<8x16x768xf32, #tpu.memory_space<vmem>> -> memref<1x16x768xf32, #tpu.memory_space<vmem>>
    %dma_wait3A_747 = tpu.memref_squeeze %dma_wait3A_746 : memref<1x16x768xf32, #tpu.memory_space<vmem>> -> memref<16x768xf32, #tpu.memory_space<vmem>>
    %dma_wait3A_748 = arith.constant 0 : i32
    %dma_wait3A_749 = tpu.memref_slice %arg4[%add3A_742, %dma_wait3A_748] : memref<8192x768xf32, #tpu.memory_space<hbm>> -> memref<16x768xf32, #tpu.memory_space<hbm>>
    %dma_wait3A_750 = arith.constant 0 : i32
    %dma_wait3A_751 = tpu.memref_slice %arg4[%add3A_742, %dma_wait3A_750] : memref<8192x768xf32, #tpu.memory_space<hbm>> -> memref<16x768xf32, #tpu.memory_space<hbm>>
    %dma_wait3A_752 = arith.constant 0 : i32
    %dma_wait3A_753 = arith.constant 0 : i32
    %dma_wait3A_754 = tpu.memref_slice %arg6[%dma_wait3A_743, %dma_wait3A_752, %dma_wait3A_753] : memref<8x16x768xf32, #tpu.memory_space<vmem>> -> memref<1x16x768xf32, #tpu.memory_space<vmem>>
    %dma_wait3A_755 = tpu.memref_squeeze %dma_wait3A_754 : memref<1x16x768xf32, #tpu.memory_space<vmem>> -> memref<16x768xf32, #tpu.memory_space<vmem>>
    tpu.wait_dma2 semaphore(%arg19 : memref<!tpu.dma_semaphore, #tpu.memory_space<semaphore_mem>>) src(%dma_wait3A_755 : memref<16x768xf32, #tpu.memory_space<vmem>>) dst(%dma_wait3A_751 : memref<16x768xf32, #tpu.memory_space<hbm>>)
    %add3A_756 = arith.constant 208 : i32
    %add3A_757 = arith.addi %multiple_of3A, %add3A_756 : i32
    %dma_wait3A_758 = arith.constant 5 : i32
    %dma_wait3A_759 = arith.constant 0 : i32
    %dma_wait3A_760 = arith.constant 0 : i32
    %dma_wait3A_761 = tpu.memref_slice %arg6[%dma_wait3A_758, %dma_wait3A_759, %dma_wait3A_760] : memref<8x16x768xf32, #tpu.memory_space<vmem>> -> memref<1x16x768xf32, #tpu.memory_space<vmem>>
    %dma_wait3A_762 = tpu.memref_squeeze %dma_wait3A_761 : memref<1x16x768xf32, #tpu.memory_space<vmem>> -> memref<16x768xf32, #tpu.memory_space<vmem>>
    %dma_wait3A_763 = arith.constant 0 : i32
    %dma_wait3A_764 = tpu.memref_slice %arg4[%add3A_757, %dma_wait3A_763] : memref<8192x768xf32, #tpu.memory_space<hbm>> -> memref<16x768xf32, #tpu.memory_space<hbm>>
    %dma_wait3A_765 = arith.constant 0 : i32
    %dma_wait3A_766 = tpu.memref_slice %arg4[%add3A_757, %dma_wait3A_765] : memref<8192x768xf32, #tpu.memory_space<hbm>> -> memref<16x768xf32, #tpu.memory_space<hbm>>
    %dma_wait3A_767 = arith.constant 0 : i32
    %dma_wait3A_768 = arith.constant 0 : i32
    %dma_wait3A_769 = tpu.memref_slice %arg6[%dma_wait3A_758, %dma_wait3A_767, %dma_wait3A_768] : memref<8x16x768xf32, #tpu.memory_space<vmem>> -> memref<1x16x768xf32, #tpu.memory_space<vmem>>
    %dma_wait3A_770 = tpu.memref_squeeze %dma_wait3A_769 : memref<1x16x768xf32, #tpu.memory_space<vmem>> -> memref<16x768xf32, #tpu.memory_space<vmem>>
    tpu.wait_dma2 semaphore(%arg20 : memref<!tpu.dma_semaphore, #tpu.memory_space<semaphore_mem>>) src(%dma_wait3A_770 : memref<16x768xf32, #tpu.memory_space<vmem>>) dst(%dma_wait3A_766 : memref<16x768xf32, #tpu.memory_space<hbm>>)
    %add3A_771 = arith.constant 224 : i32
    %add3A_772 = arith.addi %multiple_of3A, %add3A_771 : i32
    %dma_wait3A_773 = arith.constant 6 : i32
    %dma_wait3A_774 = arith.constant 0 : i32
    %dma_wait3A_775 = arith.constant 0 : i32
    %dma_wait3A_776 = tpu.memref_slice %arg6[%dma_wait3A_773, %dma_wait3A_774, %dma_wait3A_775] : memref<8x16x768xf32, #tpu.memory_space<vmem>> -> memref<1x16x768xf32, #tpu.memory_space<vmem>>
    %dma_wait3A_777 = tpu.memref_squeeze %dma_wait3A_776 : memref<1x16x768xf32, #tpu.memory_space<vmem>> -> memref<16x768xf32, #tpu.memory_space<vmem>>
    %dma_wait3A_778 = arith.constant 0 : i32
    %dma_wait3A_779 = tpu.memref_slice %arg4[%add3A_772, %dma_wait3A_778] : memref<8192x768xf32, #tpu.memory_space<hbm>> -> memref<16x768xf32, #tpu.memory_space<hbm>>
    %dma_wait3A_780 = arith.constant 0 : i32
    %dma_wait3A_781 = tpu.memref_slice %arg4[%add3A_772, %dma_wait3A_780] : memref<8192x768xf32, #tpu.memory_space<hbm>> -> memref<16x768xf32, #tpu.memory_space<hbm>>
    %dma_wait3A_782 = arith.constant 0 : i32
    %dma_wait3A_783 = arith.constant 0 : i32
    %dma_wait3A_784 = tpu.memref_slice %arg6[%dma_wait3A_773, %dma_wait3A_782, %dma_wait3A_783] : memref<8x16x768xf32, #tpu.memory_space<vmem>> -> memref<1x16x768xf32, #tpu.memory_space<vmem>>
    %dma_wait3A_785 = tpu.memref_squeeze %dma_wait3A_784 : memref<1x16x768xf32, #tpu.memory_space<vmem>> -> memref<16x768xf32, #tpu.memory_space<vmem>>
    tpu.wait_dma2 semaphore(%arg21 : memref<!tpu.dma_semaphore, #tpu.memory_space<semaphore_mem>>) src(%dma_wait3A_785 : memref<16x768xf32, #tpu.memory_space<vmem>>) dst(%dma_wait3A_781 : memref<16x768xf32, #tpu.memory_space<hbm>>)
    %add3A_786 = arith.constant 240 : i32
    %add3A_787 = arith.addi %multiple_of3A, %add3A_786 : i32
    %dma_wait3A_788 = arith.constant 7 : i32
    %dma_wait3A_789 = arith.constant 0 : i32
    %dma_wait3A_790 = arith.constant 0 : i32
    %dma_wait3A_791 = tpu.memref_slice %arg6[%dma_wait3A_788, %dma_wait3A_789, %dma_wait3A_790] : memref<8x16x768xf32, #tpu.memory_space<vmem>> -> memref<1x16x768xf32, #tpu.memory_space<vmem>>
    %dma_wait3A_792 = tpu.memref_squeeze %dma_wait3A_791 : memref<1x16x768xf32, #tpu.memory_space<vmem>> -> memref<16x768xf32, #tpu.memory_space<vmem>>
    %dma_wait3A_793 = arith.constant 0 : i32
    %dma_wait3A_794 = tpu.memref_slice %arg4[%add3A_787, %dma_wait3A_793] : memref<8192x768xf32, #tpu.memory_space<hbm>> -> memref<16x768xf32, #tpu.memory_space<hbm>>
    %dma_wait3A_795 = arith.constant 0 : i32
    %dma_wait3A_796 = tpu.memref_slice %arg4[%add3A_787, %dma_wait3A_795] : memref<8192x768xf32, #tpu.memory_space<hbm>> -> memref<16x768xf32, #tpu.memory_space<hbm>>
    %dma_wait3A_797 = arith.constant 0 : i32
    %dma_wait3A_798 = arith.constant 0 : i32
    %dma_wait3A_799 = tpu.memref_slice %arg6[%dma_wait3A_788, %dma_wait3A_797, %dma_wait3A_798] : memref<8x16x768xf32, #tpu.memory_space<vmem>> -> memref<1x16x768xf32, #tpu.memory_space<vmem>>
    %dma_wait3A_800 = tpu.memref_squeeze %dma_wait3A_799 : memref<1x16x768xf32, #tpu.memory_space<vmem>> -> memref<16x768xf32, #tpu.memory_space<vmem>>
    tpu.wait_dma2 semaphore(%arg22 : memref<!tpu.dma_semaphore, #tpu.memory_space<semaphore_mem>>) src(%dma_wait3A_800 : memref<16x768xf32, #tpu.memory_space<vmem>>) dst(%dma_wait3A_796 : memref<16x768xf32, #tpu.memory_space<hbm>>)
    return
  }
}

module attributes {stable_mosaic.version = 14 : i64} {
  func.func @_ln_body(%arg0: i32, %arg1: i32, %arg2: memref<1x2048x768xf32, #tpu.memory_space<vmem>>, %arg3: memref<2048x768xf32, #tpu.memory_space<vmem>>, %arg4: memref<1x768xf32, #tpu.memory_space<vmem>>, %arg5: memref<1x768xf32, #tpu.memory_space<vmem>>, %arg6: memref<1x768xf32, #tpu.memory_space<vmem>>, %arg7: memref<1x2048x768xf32, #tpu.memory_space<vmem>>) attributes {dimension_semantics = [#tpu.dimension_semantics<arbitrary>, #tpu.dimension_semantics<arbitrary>], iteration_bounds = array<i64: 1, 4>, scalar_prefetch = 0 : i64, scratch_operands = 0 : i64, tpu.core_type = #tpu.core_type<tc>, window_params = [{transform_indices = @transform_0, window_bounds = array<i64: 1, 2048, 768>}, {transform_indices = @transform_1, window_bounds = array<i64: 2048, 768>}, {pipeline_mode = #tpu.pipeline_mode<synchronous>, transform_indices = @transform_2, window_bounds = array<i64: 1, 768>}, {pipeline_mode = #tpu.pipeline_mode<synchronous>, transform_indices = @transform_3, window_bounds = array<i64: 1, 768>}, {pipeline_mode = #tpu.pipeline_mode<synchronous>, transform_indices = @transform_4, window_bounds = array<i64: 1, 768>}, {transform_indices = @transform_5, window_bounds = array<i64: 1, 2048, 768>}]} {
    %get3A = arith.constant 0 : index
    %get3A_0 = arith.constant 0 : index
    %get3A_1 = arith.constant 0 : index
    %get3A_2 = vector.load %arg2[%get3A, %get3A_0, %get3A_1] : memref<1x2048x768xf32, #tpu.memory_space<vmem>>, vector<1x2048x768xf32>
    %get3A_3 = vector.shape_cast %get3A_2 : vector<1x2048x768xf32> to vector<2048x768xf32>
    %get3A_4 = arith.constant 0 : index
    %get3A_5 = arith.constant 0 : index
    %get3A_6 = vector.load %arg3[%get3A_4, %get3A_5] : memref<2048x768xf32, #tpu.memory_space<vmem>>, vector<2048x768xf32>
    %add3A = arith.addf %get3A_3, %get3A_6 : vector<2048x768xf32>
    %get3A_7 = arith.constant 0 : index
    %get3A_8 = arith.constant 0 : index
    %get3A_9 = vector.load %arg4[%get3A_7, %get3A_8] : memref<1x768xf32, #tpu.memory_space<vmem>>, vector<1x768xf32>
    %add3A_10 = vector.broadcast %get3A_9 : vector<1x768xf32> to vector<2048x768xf32>
    %add3A_11 = arith.addf %add3A, %add3A_10 : vector<2048x768xf32>
    %reduce_sum3A = arith.constant dense<0.000000e+00> : vector<2048xf32>
    %reduce_sum3A_12 = vector.multi_reduction <add>, %add3A_11, %reduce_sum3A [1] : vector<2048x768xf32> to vector<2048xf32>
    %broadcast_in_dim3A = vector.shape_cast %reduce_sum3A_12 : vector<2048xf32> to vector<2048x1xf32>
    %div3A = arith.constant 7.680000e+02 : f32
    %div3A_13 = vector.broadcast %div3A : f32 to vector<2048x1xf32>
    %div3A_14 = arith.divf %broadcast_in_dim3A, %div3A_13 : vector<2048x1xf32>
    %sub3A = vector.broadcast %div3A_14 : vector<2048x1xf32> to vector<2048x768xf32>
    %sub3A_15 = arith.subf %add3A_11, %sub3A : vector<2048x768xf32>
    %mul3A = arith.mulf %sub3A_15, %sub3A_15 : vector<2048x768xf32>
    %reduce_sum3A_16 = arith.constant dense<0.000000e+00> : vector<2048xf32>
    %reduce_sum3A_17 = vector.multi_reduction <add>, %mul3A, %reduce_sum3A_16 [1] : vector<2048x768xf32> to vector<2048xf32>
    %broadcast_in_dim3A_18 = vector.shape_cast %reduce_sum3A_17 : vector<2048xf32> to vector<2048x1xf32>
    %div3A_19 = arith.constant 7.680000e+02 : f32
    %div3A_20 = vector.broadcast %div3A_19 : f32 to vector<2048x1xf32>
    %div3A_21 = arith.divf %broadcast_in_dim3A_18, %div3A_20 : vector<2048x1xf32>
    %add3A_22 = arith.constant 9.99999996E-13 : f32
    %add3A_23 = vector.broadcast %add3A_22 : f32 to vector<2048x1xf32>
    %add3A_24 = arith.addf %div3A_21, %add3A_23 : vector<2048x1xf32>
    %rsqrt3A = math.rsqrt %add3A_24 : vector<2048x1xf32>
    %mul3A_25 = vector.broadcast %rsqrt3A : vector<2048x1xf32> to vector<2048x768xf32>
    %mul3A_26 = arith.mulf %sub3A_15, %mul3A_25 : vector<2048x768xf32>
    %get3A_27 = arith.constant 0 : index
    %get3A_28 = arith.constant 0 : index
    %get3A_29 = vector.load %arg5[%get3A_27, %get3A_28] : memref<1x768xf32, #tpu.memory_space<vmem>>, vector<1x768xf32>
    %mul3A_30 = vector.broadcast %get3A_29 : vector<1x768xf32> to vector<2048x768xf32>
    %mul3A_31 = arith.mulf %mul3A_26, %mul3A_30 : vector<2048x768xf32>
    %get3A_32 = arith.constant 0 : index
    %get3A_33 = arith.constant 0 : index
    %get3A_34 = vector.load %arg6[%get3A_32, %get3A_33] : memref<1x768xf32, #tpu.memory_space<vmem>>, vector<1x768xf32>
    %add3A_35 = vector.broadcast %get3A_34 : vector<1x768xf32> to vector<2048x768xf32>
    %add3A_36 = arith.addf %mul3A_31, %add3A_35 : vector<2048x768xf32>
    %swap3A = arith.constant 0 : index
    %swap3A_37 = arith.constant 0 : index
    %swap3A_38 = arith.constant 0 : index
    %swap3A_39 = vector.load %arg7[%swap3A, %swap3A_37, %swap3A_38] : memref<1x2048x768xf32, #tpu.memory_space<vmem>>, vector<1x2048x768xf32>
    %swap3A_40 = vector.shape_cast %swap3A_39 : vector<1x2048x768xf32> to vector<2048x768xf32>
    %swap3A_41 = vector.shape_cast %add3A_36 : vector<2048x768xf32> to vector<1x2048x768xf32>
    tpu.vector_store %arg7[%swap3A, %swap3A_37, %swap3A_38], %swap3A_41 {strides = array<i32>} : memref<1x2048x768xf32, #tpu.memory_space<vmem>>, vector<1x2048x768xf32>,
    return
  }
  func.func @transform_0(%arg0: i32, %arg1: i32) -> (i32, i32, i32) {
    %c0_i32 = arith.constant 0 : i32
    %c0_i32_0 = arith.constant 0 : i32
    return %arg1, %arg0, %c0_i32 : i32, i32, i32
  }
  func.func @transform_1(%arg0: i32, %arg1: i32) -> (i32, i32) {
    %c0_i32 = arith.constant 0 : i32
    %c0_i32_0 = arith.constant 0 : i32
    return %arg0, %c0_i32 : i32, i32
  }
  func.func @transform_2(%arg0: i32, %arg1: i32) -> (i32, i32) {
    %c0_i32 = arith.constant 0 : i32
    %c0_i32_0 = arith.constant 0 : i32
    %c0_i32_1 = arith.constant 0 : i32
    return %c0_i32, %c0_i32_0 : i32, i32
  }
  func.func @transform_3(%arg0: i32, %arg1: i32) -> (i32, i32) {
    %c0_i32 = arith.constant 0 : i32
    %c0_i32_0 = arith.constant 0 : i32
    %c0_i32_1 = arith.constant 0 : i32
    return %c0_i32, %c0_i32_0 : i32, i32
  }
  func.func @transform_4(%arg0: i32, %arg1: i32) -> (i32, i32) {
    %c0_i32 = arith.constant 0 : i32
    %c0_i32_0 = arith.constant 0 : i32
    %c0_i32_1 = arith.constant 0 : i32
    return %c0_i32, %c0_i32_0 : i32, i32
  }
  func.func @transform_5(%arg0: i32, %arg1: i32) -> (i32, i32, i32) {
    %c0_i32 = arith.constant 0 : i32
    %c0_i32_0 = arith.constant 0 : i32
    return %arg1, %arg0, %c0_i32 : i32, i32, i32
  }
}

</mosaic_0001>

<sc_bundles>
// kernel: kernel.4.cloned.1.call-start
scs
__scs_entry_jumppad:
0x0: {  	(pc) =	sbr.rel $0x88, $3  }
0x1: {  	(tag) =	ssettag $0x0;
	lr =	simm.s32 $0x1  }
0x2: {  	[smem:$0x3F9B] =	sst lr;
	_ =	strace $0xD0000000  }
0x3: {  	_ = 	snop  }
0x4: {  	_ = 	snop  }
0x5: {  	_ = 	snop  }
0x6: {  	_ = 	snop  }
0x7: {  	_ = 	snop  }
__scs_overlays_trampoline_lowered:
0x8: {  	[smem:$0x3FAA] =	sst s0  }
0x9: {  	[smem:$0x3FAB] =	sst s1  }
0xa: {  	[smem:$0x3FAC] =	sst s2  }
0xb: {  	[smem:$0x3FAD] =	sst s3  }
0xc: {  	[smem:$0x3FAE] =	sst s4  }
0xd: {  	[smem:$0x3FAF] =	sst s5  }
0xe: {  	[smem:$0x3FB0] =	sst s6  }
0xf: {  	[smem:$0x3FB1] =	sst s7  }
0x10: {  	[smem:$0x3FB2] =	sst s8  }
0x11: {  	[smem:$0x3FB3] =	sst s9;
	s0 =	simm.s32 @!p0 $0x0  }
0x12: {  	s1 =	sld [smem:$0x3F99];
	s0 =	simm.s32 @p0 $0x1  }
0x13: {  	[smem:$0x3FB4] =	sst s0;
	s0 =	simm.s32 @!p1 $0x0  }
0x14: {  	s2 =	sld [smem:$0x3F98];
	s0 =	simm.s32 @p1 $0x1  }
0x15: {  	[smem:$0x3FB5] =	sst s0;
	s0 =	simm.s32 @!p2 $0x0  }
0x16: {  	s3 =	sld [smem:$0x3FDB];
	s0 =	simm.s32 @p2 $0x1  }
0x17: {  	s4 =	simm.s32 $0x1BF5;
	[smem:$0x3FB7] =	sst s0  }
0x18: {  	s0 =	sld [smem:$0x3F9A];
	_ =	swait.ge [sflag:s4], $0x0  }
0x19: {  	s7 =	sld [smem:$0x3F9B]  }
0x1a: {  	s8 =	sadd.s32 $0xFFFFE003, lr  }
0x1b: {  	s9 =	sadd.s32 $0xFFFFFEF7, lr;
	s5 =	simm.s32 $0xFFFFFFFF;
	p2 =	slt.u32 s8, $0xFFFFF086  }
0x1c: {  	p1 =	slt.u32 s9, $0xF7A;
	s5 =	simm.s32 @!p2 $0x0  }
0x1d: {  	s5 =	simm.s32 @p1 $0x1;
	p0 =	seq.s32 s7, s2  }
0x1e: {  	s7 =	smul.u32 @!p0 $0xF7A, s2;
	p2 =	seq.s32 @!p0 s5, $0x0  }
0x1f: {  	s9 =	smul.u32 $0xF7A, s1;
	s8 =	simm.s32 @!p0 $0x1BF5;
	p2 =	por !p2, p0  }
0x20: {  	[sflag:s8] =	ssyncset.s32 @!p0 $0xFFFFF086;
	s6 =	sadd.s32 @!p0 s3, s7;
	s7 =	simm.s32 @!p0 $0x108  }
0x21: {  	s3 =	sadd.s32 s3, s9;
	s6 =	sadd.s32 @!p0 $0x88, s6;
	s7 =	simm.s32 @p2 $0x1082  }
0x22: {  	[simem:s7], [sflag:s8] =	dma.local @!p0 [hbm:s6], $0xF7A  }
0x23: {  	s9 =	sor.u32 $0xD0000000, s2;
	s6 =	simm.s32 $0x108;
	_ =	swait.ge @!p0 [sflag:s8], $0x0  }
0x24: {  	s3 =	sadd.s32 $0x88, s3;
	s6 =	simm.s32 @!p1 $0x1082;
	[sflag:s4] =	ssyncset.s32 $0xFFFFF086  }
0x25: {  	[simem:s6], [sflag:s4] =	dma.local [hbm:s3], $0xF7A  }
0x26: {  	[smem:$0x3F9B] =	sst s1;
	(tag) =	ssettag s2;
	_ =	strace s9  }
0x27: {  	s1 =	sld [smem:$0x3FAB]  }
0x28: {  	s2 =	sld [smem:$0x3FAC]  }
0x29: {  	s4 =	sld [smem:$0x3FAE]  }
0x2a: {  	p0 =	seq.s32 s5, $0x0;
	s5 =	sld [smem:$0x3FAF]  }
0x2b: {  	s6 =	sld [smem:$0x3FB0]  }
0x2c: {  	s7 =	sld [smem:$0x3FB1]  }
0x2d: {  	s3 =	simm.s32 $0x108;
	s8 =	sld [smem:$0x3FB2]  }
0x2e: {  	s3 =	simm.s32 @!p0 $0x1082;
	s9 =	sld [smem:$0x3FB3]  }
0x2f: {  	lr =	sadd.s32 s0, s3;
	s0 =	sld [smem:$0x3FAA]  }
0x30: {  	s3 =	sld [smem:$0x3FAD]  }
0x31: {  	[smem:$0x3FB6] =	sst s10  }
0x32: {  	s10 =	sld [smem:$0x3FB4];
	_ =	sdelay $0x3  }
0x33: {  	p0 =	seq.s32 s10, $0x1;
	s10 =	sld [smem:$0x3FB6];
	_ =	sdelay $0x3  }
0x34: {  	[smem:$0x3FB6] =	sst s10  }
0x35: {  	s10 =	sld [smem:$0x3FB5];
	_ =	sdelay $0x3  }
0x36: {  	p1 =	seq.s32 s10, $0x1;
	s10 =	sld [smem:$0x3FB6];
	_ =	sdelay $0x3  }
0x37: {  	[smem:$0x3FB6] =	sst s10  }
0x38: {  	s10 =	sld [smem:$0x3FB7]  }
0x39: {  	_ = 	snop;
	(pc) =	sbr.ind lr, $3  }
0x3a: {  	_ = 	snop  }
0x3b: {  	_ = 	snop  }
0x3c: {  	p2 =	seq.s32 s10, $0x1;
	s10 =	sld [smem:$0x3FB6]  }
0x3d: {  	_ =	shalt  }
0x3e: {  	_ =	shalt  }
0x3f: {  	_ =	shalt  }
0x40: {  	_ =	shalt  }
0x41: {  	_ =	shalt  }
0x42: {  	_ =	shalt  }
0x43: {  	_ =	shalt  }
0x44: {  	_ =	shalt  }
0x45: {  	_ =	shalt  }
0x46: {  	_ =	shalt  }
0x47: {  	_ =	shalt  }
0x48: {  	_ =	shalt  }
0x49: {  	_ =	shalt  }
0x4a: {  	_ =	shalt  }
0x4b: {  	_ =	shalt  }
0x4c: {  	_ =	shalt  }
0x4d: {  	_ =	shalt  }
0x4e: {  	_ =	shalt  }
0x4f: {  	_ =	shalt  }
0x50: {  	_ =	shalt  }
0x51: {  	_ =	shalt  }
0x52: {  	_ =	shalt  }
0x53: {  	_ =	shalt  }
0x54: {  	_ =	shalt  }
0x55: {  	_ =	shalt  }
0x56: {  	_ =	shalt  }
0x57: {  	_ =	shalt  }
0x58: {  	_ =	shalt  }
0x59: {  	_ =	shalt  }
0x5a: {  	_ =	shalt  }
0x5b: {  	_ =	shalt  }
0x5c: {  	_ =	shalt  }
0x5d: {  	_ =	shalt  }
0x5e: {  	_ =	shalt  }
0x5f: {  	_ =	shalt  }
0x60: {  	_ =	shalt  }
0x61: {  	_ =	shalt  }
0x62: {  	_ =	shalt  }
0x63: {  	_ =	shalt  }
0x64: {  	_ =	shalt  }
0x65: {  	_ =	shalt  }
0x66: {  	_ =	shalt  }
0x67: {  	_ =	shalt  }
0x68: {  	_ =	shalt  }
0x69: {  	_ =	shalt  }
0x6a: {  	_ =	shalt  }
0x6b: {  	_ =	shalt  }
0x6c: {  	_ =	shalt  }
0x6d: {  	_ =	shalt  }
0x6e: {  	_ =	shalt  }
0x6f: {  	_ =	shalt  }
0x70: {  	_ =	shalt  }
0x71: {  	_ =	shalt  }
0x72: {  	_ =	shalt  }
0x73: {  	_ =	shalt  }
0x74: {  	_ =	shalt  }
0x75: {  	_ =	shalt  }
0x76: {  	_ =	shalt  }
0x77: {  	_ =	shalt  }
0x78: {  	_ =	shalt  }
0x79: {  	_ =	shalt  }
0x7a: {  	_ =	shalt  }
0x7b: {  	_ =	shalt  }
0x7c: {  	_ =	shalt  }
0x7d: {  	_ =	shalt  }
0x7e: {  	_ =	shalt  }
0x7f: {  	_ =	shalt  }
0x80: {  	_ =	shalt  }
0x81: {  	_ =	shalt  }
0x82: {  	_ =	shalt  }
0x83: {  	_ =	shalt  }
0x84: {  	_ =	shalt  }
0x85: {  	_ =	shalt  }
0x86: {  	_ =	shalt  }
0x87: {  	_ =	shalt  }
.Lfunc_end0:
.L_simem_size_0:
called_computation_lowered:
.L_overlay_start_0:
0x88: {  	s2 =	sld [smem:$0x3FD9]  }
0x89: {  	s3 =	sld [smem:$0x3FFE];
	_ =	sdelay $0x1  }
0x8a: {  	s1 =	srdreg.scid  }
0x8b: {  	s0 =	sand.u32 $0x1, s1  }
0x8c: {  	s17 =	sshll.u32 s0, $0xA;
	s2 =	sadd.s32 s3, s2  }
0x8d: {  	s2 =	sadd.s32 s2, s17  }
0x8e: {  	[smem:$0x3FC2] =	sst s2  }
0x8f: {  	_ = 	snop  }
0x90: {  	s2 =	sld [smem:$0x3FC8]  }
0x91: {  	s18 =	sld [smem:$0x3FD0];
	(tm) =	ssettm $0x1  }
0x92: {  	s4 =	sld [smem:$0x3FFB];
	_ =	sdelay $0x3  }
0x93: {  	_ =	strace s4  }
0x94: {  	s4 =	sld [smem:$0x3FFC];
	_ =	sdelay $0x3  }
0x95: {  	_ =	strace s4  }
0x96: {  	s4 =	sld [smem:$0x3FFD];
	_ =	sdelay $0x3  }
0x97: {  	_ =	strace s4  }
0x98: {  	_ =	strace $0x8FFFFFFF  }
0x99: {  	s19 =	sld [smem:$0x3FDB];
	_ =	sdelay $0x1  }
0x9a: {  	s5 =	simm.s32 $_scs_section_size  }
0x9b: {  	s6 =	simm.s32 $_size__tile_overlayer_lowered;
	s7 =	simm.s32 $_tile_overlayer_lowered  }
0x9c: {  	s22 =	simm.s32 $0x1BFF;
	s21 =	sshll.u32 s7, $0x1;
	s4 =	sadd.s32 s5, s19  }
0x9d: {  	s8 =	simm.s32 $0x0;
	s20 =	sshll.u32 s6, $0x1;
	s6 =	sadd.s32 s21, s4  }
0x9e: {  	[timem:s8], [sflag:s22] =	dma.local [hbm:s6], s20  }
0x9f: {  	_ =	swait.ge [sflag:s22], s20  }
0xa0: {  	s5 =	ssub.s32 $0x0, s20;
	[sflag:s22] =	ssyncset.done $0x0  }
0xa1: {  	[sflag:s22] =	ssyncadd.s32 s5;
	_ =	sdelay $0x1  }
0xa2: {  	s23 =	simm.s32 $0x1B8B  }
0xa3: {  	_ =	swait.ge [sflag:s23], $0x1  }
0xa4: {  	[sflag:s23] =	ssyncset.done $0x0  }
0xa5: {  	s25 =	simm.s32 $0x1B8E;
	s24 =	sld [smem:$0x3FFE];
	[sflag:s23] =	ssyncadd.s32 $0xFFFFFFFF  }
0xa6: {  	s26 =	simm.s32 $execute0_lowered;
	[smem:$0x3FD2] =	sst s25  }
0xa7: {  	s6 =	sshll.u32 s26, $0x1;
	_ =	strace $0x80000046;
	[dreg:$0x1] =	wrdreg $0xFFFFFFFF  }
0xa8: {  	s28 =	simm.s32 $_size_execute0_lowered;
	s4 =	sadd.s32 s4, s6;
	[dreg:$0x0] =	wrdreg $0x0  }
0xa9: {  	s6 =	sshll.u32 s28, $0x1;
	[dreg:$0x2] =	wrdreg s4  }
0xaa: {  	[dreg:$0x3] =	wrdreg s6  }
0xab: {  	[dreg:$0x4] =	wrdreg $0xC0  }
0xac: {  	_ =	task [dreg:s8], $0x5FFFF  }
0xad: {  	[dreg:$0x1] =	wrdreg $0xFFFFFFFF  }
0xae: {  	[dreg:$0x0] =	wrdreg $0x60  }
0xaf: {  	[dreg:$0x2] =	wrdreg s18  }
0xb0: {  	[dreg:$0x3] =	wrdreg s2  }
0xb1: {  	[dreg:$0x4] =	wrdreg s24  }
0xb2: {  	[dreg:$0x5] =	wrdreg $0x9  }
0xb3: {  	_ =	task.clear_ibuf [dreg:s8], $0x6FFFF;
	_ =	strace $0x90000046  }
0xb4: {  	s29 =	simm.s32 $0x9;
	_ =	strace $0x80000048  }
0xb5: {  	_ =	swait.ge [sflag:s29], $0x1  }
0xb6: {  	[sflag:s29] =	ssyncadd.s32 $0xFFFFFFFF  }
0xb7: {  	_ =	strace $0x90000048  }
0xb8: {  	_ =	sfence  }
0xb9: {  	s30 =	sld [smem:$0x0];
	_ =	sdelay $0x2  }
0xba: {  	s31 =	sshll.u32 s1, $0xD;
	s1 =	sshrl.u32 s1, $0x2  }
0xbb: {  	s3 =	sand.u32 $0x4000, s31;
	s1 =	sadd.s32 s1, s30  }
0xbc: {  	s0 =	sor.u32 s3, s0;
	s1 =	sshll.u32 s1, $0x11  }
0xbd: {  	s0 =	sor.u32 s1, s0  }
0xbe: {  	s0 =	sadd.s32 $0x8F2B, s0  }
0xbf: {  	[sflag:s0] =	ssyncadd.remote.s32 $0x1  }
0xc0: {  	_ =	sfence.sel $0xFFFF  }
0xc1: {  	[dreg:$0x0] =	wrdreg $0xFFFFFFFF;
	(pc) =	sbr.abs _section_cstart, $3  }
0xc2: {  	[dreg:$0x1] =	wrdreg $0xFFFFFFFF  }
0xc3: {  	_ =	task.clear_ibuf [dreg:s8], $0x2FFFF;
	_ =	strace $0x9FFFFFFF  }
0xc4: {  	(tm) =	ssettm $0x7FFFFFFF  }
0xc5: {  	_ =	shalt  }
tec
execute0_lowered:
.L_overlay_start_1:
0x0: {  	(tag) =	ssettag $0x1  }
0x1: {  	s0 =	srdreg.scid  }
0x2: {  	s3 =	stileid.u32;
	s0 =	sand.u32 $0x1, s0  }
0x3: {  	s1 =	rddreg [dreg:$0x0];
	s3 =	sshll.u32 s3, $0x6;
	s4 =	sshll.u32 s0, $0x5  }
0x4: {  	s2 =	rddreg [dreg:$0x1];
	s4 =	sor.u32 s4, s3  }
0x5: {  	s5 =	rddreg [dreg:$0x2];
	s3 =	simm.s32 $0x0;
	s6 =	smul.u32 $0x300, s4  }
0x6: {  	s5 =	sadd.s32 $0xC00, s5;
	[smem:$0x7FF] =	sst s3;
	s1 =	sadd.s32 s1, s4  }
0x7: {  	_ =	strace $0x80000047;
	[dreg:$0x4] =	wrdreg s1;
	s6 =	sadd.s32 s5, s6  }
0x8: {  	s12 =	sadd.s32 $0x600, s6;
	[dreg:$0x14] =	wrdreg s6  }
0x9: {  	s4 =	smul.u32 $0x1800, s4;
	s13 =	sadd.s32 $0xC00, s6;
	[dreg:$0x5] =	wrdreg s12  }
0xa: {  	s30 =	simm.s32 $0x9900;
	s14 =	sadd.s32 $0x1200, s6;
	[dreg:$0x6] =	wrdreg s13  }
0xb: {  	s4 =	sshrl.u32 s4, $0x3;
	s15 =	sadd.s32 $0x1800, s6;
	[dreg:$0x7] =	wrdreg s14  }
0xc: {  	s16 =	sadd.s32 $0x1E00, s6;
	s4 =	sadd.s32 s5, s4;
	[dreg:$0x8] =	wrdreg s15  }
0xd: {  	s31 =	simm.s32 $0xA100;
	[dreg:$0x9] =	wrdreg s16;
	s17 =	sadd.s32 $0x2400, s4  }
0xe: {  	s11 =	simm.s32 $0x12100;
	s18 =	sadd.s32 $0x2A00, s4;
	[dreg:$0xa] =	wrdreg s17  }
0xf: {  	s0 =	ssub.s32 $0x2, s0;
	s19 =	sadd.s32 $0x3000, s4;
	[dreg:$0xb] =	wrdreg s18  }
0x10: {  	s25 =	sshrl.u32 s0, $0x1;
	s20 =	sadd.s32 $0x3600, s4;
	[dreg:$0xc] =	wrdreg s19  }
0x11: {  	s0 =	ssub.s32 s0, s25;
	s21 =	sadd.s32 $0x3C00, s4;
	[dreg:$0xd] =	wrdreg s20  }
0x12: {  	s29 =	smax.u32 s0, $0x1;
	s22 =	sadd.s32 $0x4200, s4;
	[dreg:$0xe] =	wrdreg s21  }
0x13: {  	s1 =	simm.s32 $0x9;
	s23 =	sadd.s32 $0x4800, s4;
	[dreg:$0xf] =	wrdreg s22  }
0x14: {  	s5 =	sadd.s32 $0x100, s2;
	s24 =	sadd.s32 $0x4E00, s4;
	[dreg:$0x10] =	wrdreg s23  }
0x15: {  	v2 =	vlaneseq.u32;
	s6 =	sadd.s32 $0x200, s2;
	s26 =	sadd.s32 $0x5400, s4;
	[dreg:$0x11] =	wrdreg s24  }
0x16: {  	vm0 =	vmmov $0xffff;
	v1 =	vshrl.u32 v2, $0x3;
	s28 =	sadd.s32 $0x5A00, s4;
	s15 =	simm.s32 $0xC100;
	[dreg:$0x12] =	wrdreg s26  }
0x17: {  	v0 =	vand.u32 $0x7, v2;
	v2 =	vor.u32 $0x8, v2;
	v1 =	vmul.u32 $0x8, v1;
	s13 =	simm.s32 $0xF100;
	s4 =	simm.s32 $0x15100;
	[dreg:$0x13] =	wrdreg s28  }
.LBB2_1:
0x18: {  	s14 =	rddreg [dreg:$0x4];
	s8 =	simm.s32 $0x11  }
0x19: {  	[tilespmem:s3], [sflag:$0x11] =	stream.linear.gather [hbm4b:s14+s3], $0x100, $0x38;
	[tilespmem:$0x18100] =	vst v63  }
0x1a: {  	_ =	swait.ge [sflag:s8], $0x100  }
0x1b: {  	[sflag:s8] =	ssyncset.done $0x0  }
0x1c: {  	[sflag:s8] =	ssyncadd.s32 $0xFFFFFF00  }
0x1d: {  	v3 =	vld [tilespmem:$0x0];
	_ =	sdelay $0x4  }
0x1e: {  	v4 =	vshrl.u32 v3, $0x3  }
0x1f: {  	v4 =	vmul.u32 $0x30, v4  }
0x20: {  	v3 =	vand.u32 $0x7, v3  }
0x21: {  	v3 =	vor.u32 v3, v4  }
0x22: {  	v4 =	vperm.xlane v3, v0;
	_ =	sdelay $0x1  }
0x23: {  	v4 =	vadd.s32 v1, v4;
	_ =	sdelay $0x3  }
0x24: {  	s0 =	simm.s32 $0x100;
	v3 =	vperm.xlane v3, v2  }
0x25: {  	[tilespmem:s0], [sflag:$0x1] =	stream.indirect_vreg.gather [hbm4b:s2+s3], $0x80, v4, vm0, $0xb8;
	[tilespmem:$0x18100] =	vst v63  }
0x26: {  	s8 =	simm.s32 $0x900;
	v3 =	vadd.s32 v1, v3  }
0x27: {  	[tilespmem:s8], [sflag:$0x1] =	stream.indirect_vreg.gather [hbm4b:s5+s3], $0x80, v4, vm0, $0xb8;
	[tilespmem:$0x18100] =	vst v63  }
0x28: {  	s9 =	simm.s32 $0x1100  }
0x29: {  	[tilespmem:s9], [sflag:$0x1] =	stream.indirect_vreg.gather [hbm4b:s6+s3], $0x80, v4, vm0, $0xb8;
	[tilespmem:$0x18100] =	vst v63  }
0x2a: {  	s21 =	simm.s32 $0x1900  }
0x2b: {  	[tilespmem:s21], [sflag:$0x1] =	stream.indirect_vreg.gather [hbm4b:s2+s3], $0x80, v3, vm0, $0xb8;
	[tilespmem:$0x18100] =	vst v63  }
0x2c: {  	s28 =	simm.s32 $0x2100  }
0x2d: {  	[tilespmem:s28], [sflag:$0x1] =	stream.indirect_vreg.gather [hbm4b:s5+s3], $0x80, v3, vm0, $0xb8;
	[tilespmem:$0x18100] =	vst v63  }
0x2e: {  	s10 =	simm.s32 $0x2900  }
0x2f: {  	[tilespmem:s10], [sflag:$0x1] =	stream.indirect_vreg.gather [hbm4b:s6+s3], $0x80, v3, vm0, $0xb8;
	[tilespmem:$0x18100] =	vst v63  }
0x30: {  	v3 =	vld [tilespmem:$0x10];
	_ =	sdelay $0x4  }
0x31: {  	v49 =	vshrl.u32 v3, $0x3  }
0x32: {  	v4 =	vmul.u32 $0x30, v49  }
0x33: {  	v3 =	vand.u32 $0x7, v3  }
0x34: {  	v3 =	vor.u32 v3, v4  }
0x35: {  	v4 =	vperm.xlane v3, v0;
	_ =	sdelay $0x1  }
0x36: {  	v4 =	vadd.s32 v1, v4;
	_ =	sdelay $0x3  }
0x37: {  	s26 =	simm.s32 $0x3100;
	v3 =	vperm.xlane v3, v2  }
0x38: {  	[tilespmem:s26], [sflag:$0x2] =	stream.indirect_vreg.gather [hbm4b:s2+s3], $0x80, v4, vm0, $0xb8;
	[tilespmem:$0x18100] =	vst v63  }
0x39: {  	s24 =	simm.s32 $0x3900;
	v3 =	vadd.s32 v1, v3  }
0x3a: {  	[tilespmem:s24], [sflag:$0x2] =	stream.indirect_vreg.gather [hbm4b:s5+s3], $0x80, v4, vm0, $0xb8;
	[tilespmem:$0x18100] =	vst v63  }
0x3b: {  	s12 =	simm.s32 $0x4100  }
0x3c: {  	[tilespmem:s12], [sflag:$0x2] =	stream.indirect_vreg.gather [hbm4b:s6+s3], $0x80, v4, vm0, $0xb8;
	[tilespmem:$0x18100] =	vst v63  }
0x3d: {  	s16 =	simm.s32 $0x4900  }
0x3e: {  	[tilespmem:s16], [sflag:$0x2] =	stream.indirect_vreg.gather [hbm4b:s2+s3], $0x80, v3, vm0, $0xb8;
	[tilespmem:$0x18100] =	vst v63  }
0x3f: {  	s18 =	simm.s32 $0x5100  }
0x40: {  	[tilespmem:s18], [sflag:$0x2] =	stream.indirect_vreg.gather [hbm4b:s5+s3], $0x80, v3, vm0, $0xb8;
	[tilespmem:$0x18100] =	vst v63  }
0x41: {  	s19 =	simm.s32 $0x5900  }
0x42: {  	[tilespmem:s19], [sflag:$0x2] =	stream.indirect_vreg.gather [hbm4b:s6+s3], $0x80, v3, vm0, $0xb8;
	[tilespmem:$0x18100] =	vst v63  }
0x43: {  	v3 =	vld [tilespmem:$0x20];
	_ =	sdelay $0x4  }
0x44: {  	v50 =	vshrl.u32 v3, $0x3  }
0x45: {  	v4 =	vmul.u32 $0x30, v50  }
0x46: {  	v3 =	vand.u32 $0x7, v3  }
0x47: {  	v3 =	vor.u32 v3, v4  }
0x48: {  	v4 =	vperm.xlane v3, v0;
	_ =	sdelay $0x1  }
0x49: {  	v4 =	vadd.s32 v1, v4;
	_ =	sdelay $0x3  }
0x4a: {  	s7 =	simm.s32 $0x6100;
	v3 =	vperm.xlane v3, v2  }
0x4b: {  	[tilespmem:s7], [sflag:$0x3] =	stream.indirect_vreg.gather [hbm4b:s2+s3], $0x80, v4, vm0, $0xb8;
	[tilespmem:$0x18100] =	vst v63  }
0x4c: {  	s20 =	simm.s32 $0x6900;
	v3 =	vadd.s32 v1, v3  }
0x4d: {  	[tilespmem:s20], [sflag:$0x3] =	stream.indirect_vreg.gather [hbm4b:s5+s3], $0x80, v4, vm0, $0xb8;
	[tilespmem:$0x18100] =	vst v63  }
0x4e: {  	s22 =	simm.s32 $0x7100  }
0x4f: {  	[tilespmem:s22], [sflag:$0x3] =	stream.indirect_vreg.gather [hbm4b:s6+s3], $0x80, v4, vm0, $0xb8;
	[tilespmem:$0x18100] =	vst v63  }
0x50: {  	s23 =	simm.s32 $0x7900  }
0x51: {  	[tilespmem:s23], [sflag:$0x3] =	stream.indirect_vreg.gather [hbm4b:s2+s3], $0x80, v3, vm0, $0xb8;
	[tilespmem:$0x18100] =	vst v63  }
0x52: {  	s25 =	simm.s32 $0x8100  }
0x53: {  	[tilespmem:s25], [sflag:$0x3] =	stream.indirect_vreg.gather [hbm4b:s5+s3], $0x80, v3, vm0, $0xb8;
	[tilespmem:$0x18100] =	vst v63  }
0x54: {  	s26 =	simm.s32 $0x8900  }
0x55: {  	[tilespmem:s26], [sflag:$0x3] =	stream.indirect_vreg.gather [hbm4b:s6+s3], $0x80, v3, vm0, $0xb8;
	[tilespmem:$0x18100] =	vst v63  }
0x56: {  	v3 =	vld [tilespmem:$0x30];
	_ =	sdelay $0x4  }
0x57: {  	v51 =	vshrl.u32 v3, $0x3  }
0x58: {  	v4 =	vmul.u32 $0x30, v51  }
0x59: {  	v3 =	vand.u32 $0x7, v3  }
0x5a: {  	v3 =	vor.u32 v3, v4  }
0x5b: {  	v4 =	vperm.xlane v3, v0;
	_ =	sdelay $0x1  }
0x5c: {  	v4 =	vadd.s32 v1, v4;
	_ =	sdelay $0x3  }
0x5d: {  	s14 =	simm.s32 $0x9100;
	v3 =	vperm.xlane v3, v2  }
0x5e: {  	[tilespmem:s14], [sflag:$0x4] =	stream.indirect_vreg.gather [hbm4b:s2+s3], $0x80, v4, vm0, $0xb8;
	[tilespmem:$0x18100] =	vst v63  }
0x5f: {  	v3 =	vadd.s32 v1, v3  }
0x60: {  	[tilespmem:s30], [sflag:$0x4] =	stream.indirect_vreg.gather [hbm4b:s5+s3], $0x80, v4, vm0, $0xb8;
	[tilespmem:$0x18100] =	vst v63  }
0x61: {  	_ = 	snop  }
0x62: {  	[tilespmem:s31], [sflag:$0x4] =	stream.indirect_vreg.gather [hbm4b:s6+s3], $0x80, v4, vm0, $0xb8;
	[tilespmem:$0x18100] =	vst v63  }
0x63: {  	s17 =	simm.s32 $0xA900  }
0x64: {  	[tilespmem:s17], [sflag:$0x4] =	stream.indirect_vreg.gather [hbm4b:s2+s3], $0x80, v3, vm0, $0xb8;
	[tilespmem:$0x18100] =	vst v63  }
0x65: {  	s17 =	simm.s32 $0xB100  }
0x66: {  	[tilespmem:s17], [sflag:$0x4] =	stream.indirect_vreg.gather [hbm4b:s5+s3], $0x80, v3, vm0, $0xb8;
	[tilespmem:$0x18100] =	vst v63  }
0x67: {  	s7 =	simm.s32 $0xB900  }
0x68: {  	[tilespmem:s7], [sflag:$0x4] =	stream.indirect_vreg.gather [hbm4b:s6+s3], $0x80, v3, vm0, $0xb8;
	[tilespmem:$0x18100] =	vst v63  }
0x69: {  	v3 =	vld [tilespmem:$0x40];
	_ =	sdelay $0x4  }
0x6a: {  	v52 =	vshrl.u32 v3, $0x3  }
0x6b: {  	v4 =	vmul.u32 $0x30, v52  }
0x6c: {  	v3 =	vand.u32 $0x7, v3  }
0x6d: {  	v3 =	vor.u32 v3, v4  }
0x6e: {  	v4 =	vperm.xlane v3, v0;
	_ =	sdelay $0x1  }
0x6f: {  	v4 =	vadd.s32 v1, v4;
	_ =	sdelay $0x3  }
0x70: {  	v3 =	vperm.xlane v3, v2  }
0x71: {  	[tilespmem:s15], [sflag:$0x5] =	stream.indirect_vreg.gather [hbm4b:s2+s3], $0x80, v4, vm0, $0xb8;
	[tilespmem:$0x18100] =	vst v63  }
0x72: {  	s14 =	simm.s32 $0xC900;
	v3 =	vadd.s32 v1, v3  }
0x73: {  	[tilespmem:s14], [sflag:$0x5] =	stream.indirect_vreg.gather [hbm4b:s5+s3], $0x80, v4, vm0, $0xb8;
	[tilespmem:$0x18100] =	vst v63  }
0x74: {  	s7 =	simm.s32 $0xD100  }
0x75: {  	[tilespmem:s7], [sflag:$0x5] =	stream.indirect_vreg.gather [hbm4b:s6+s3], $0x80, v4, vm0, $0xb8;
	[tilespmem:$0x18100] =	vst v63  }
0x76: {  	s14 =	simm.s32 $0xD900  }
0x77: {  	[tilespmem:s14], [sflag:$0x5] =	stream.indirect_vreg.gather [hbm4b:s2+s3], $0x80, v3, vm0, $0xb8;
	[tilespmem:$0x18100] =	vst v63  }
0x78: {  	s7 =	simm.s32 $0xE100  }
0x79: {  	[tilespmem:s7], [sflag:$0x5] =	stream.indirect_vreg.gather [hbm4b:s5+s3], $0x80, v3, vm0, $0xb8;
	[tilespmem:$0x18100] =	vst v63  }
0x7a: {  	s14 =	simm.s32 $0xE900  }
0x7b: {  	[tilespmem:s14], [sflag:$0x5] =	stream.indirect_vreg.gather [hbm4b:s6+s3], $0x80, v3, vm0, $0xb8;
	[tilespmem:$0x18100] =	vst v63  }
0x7c: {  	v3 =	vld [tilespmem:$0x50];
	_ =	sdelay $0x4  }
0x7d: {  	v53 =	vshrl.u32 v3, $0x3  }
0x7e: {  	v4 =	vmul.u32 $0x30, v53  }
0x7f: {  	v3 =	vand.u32 $0x7, v3  }
0x80: {  	v3 =	vor.u32 v3, v4  }
0x81: {  	v4 =	vperm.xlane v3, v0;
	_ =	sdelay $0x1  }
0x82: {  	v4 =	vadd.s32 v1, v4;
	_ =	sdelay $0x3  }
0x83: {  	v3 =	vperm.xlane v3, v2  }
0x84: {  	[tilespmem:s13], [sflag:$0x6] =	stream.indirect_vreg.gather [hbm4b:s2+s3], $0x80, v4, vm0, $0xb8;
	[tilespmem:$0x18100] =	vst v63  }
0x85: {  	s7 =	simm.s32 $0xF900;
	v3 =	vadd.s32 v1, v3  }
0x86: {  	[tilespmem:s7], [sflag:$0x6] =	stream.indirect_vreg.gather [hbm4b:s5+s3], $0x80, v4, vm0, $0xb8;
	[tilespmem:$0x18100] =	vst v63  }
0x87: {  	s14 =	simm.s32 $0x10100  }
0x88: {  	[tilespmem:s14], [sflag:$0x6] =	stream.indirect_vreg.gather [hbm4b:s6+s3], $0x80, v4, vm0, $0xb8;
	[tilespmem:$0x18100] =	vst v63  }
0x89: {  	s7 =	simm.s32 $0x10900  }
0x8a: {  	[tilespmem:s7], [sflag:$0x6] =	stream.indirect_vreg.gather [hbm4b:s2+s3], $0x80, v3, vm0, $0xb8;
	[tilespmem:$0x18100] =	vst v63  }
0x8b: {  	s14 =	simm.s32 $0x11100  }
0x8c: {  	[tilespmem:s14], [sflag:$0x6] =	stream.indirect_vreg.gather [hbm4b:s5+s3], $0x80, v3, vm0, $0xb8;
	[tilespmem:$0x18100] =	vst v63  }
0x8d: {  	s7 =	simm.s32 $0x11900  }
0x8e: {  	[tilespmem:s7], [sflag:$0x6] =	stream.indirect_vreg.gather [hbm4b:s6+s3], $0x80, v3, vm0, $0xb8;
	[tilespmem:$0x18100] =	vst v63  }
0x8f: {  	v3 =	vld [tilespmem:$0x60];
	_ =	sdelay $0x4  }
0x90: {  	v54 =	vshrl.u32 v3, $0x3  }
0x91: {  	v4 =	vmul.u32 $0x30, v54  }
0x92: {  	v3 =	vand.u32 $0x7, v3  }
0x93: {  	v3 =	vor.u32 v3, v4  }
0x94: {  	v4 =	vperm.xlane v3, v0;
	_ =	sdelay $0x1  }
0x95: {  	v4 =	vadd.s32 v1, v4;
	_ =	sdelay $0x3  }
0x96: {  	v3 =	vperm.xlane v3, v2  }
0x97: {  	[tilespmem:s11], [sflag:$0x7] =	stream.indirect_vreg.gather [hbm4b:s2+s3], $0x80, v4, vm0, $0xb8;
	[tilespmem:$0x18100] =	vst v63  }
0x98: {  	s14 =	simm.s32 $0x12900;
	v3 =	vadd.s32 v1, v3  }
0x99: {  	[tilespmem:s14], [sflag:$0x7] =	stream.indirect_vreg.gather [hbm4b:s5+s3], $0x80, v4, vm0, $0xb8;
	[tilespmem:$0x18100] =	vst v63  }
0x9a: {  	s7 =	simm.s32 $0x13100  }
0x9b: {  	[tilespmem:s7], [sflag:$0x7] =	stream.indirect_vreg.gather [hbm4b:s6+s3], $0x80, v4, vm0, $0xb8;
	[tilespmem:$0x18100] =	vst v63  }
0x9c: {  	s14 =	simm.s32 $0x13900  }
0x9d: {  	[tilespmem:s14], [sflag:$0x7] =	stream.indirect_vreg.gather [hbm4b:s2+s3], $0x80, v3, vm0, $0xb8;
	[tilespmem:$0x18100] =	vst v63  }
0x9e: {  	s7 =	simm.s32 $0x14100  }
0x9f: {  	[tilespmem:s7], [sflag:$0x7] =	stream.indirect_vreg.gather [hbm4b:s5+s3], $0x80, v3, vm0, $0xb8;
	[tilespmem:$0x18100] =	vst v63  }
0xa0: {  	s14 =	simm.s32 $0x14900  }
0xa1: {  	[tilespmem:s14], [sflag:$0x7] =	stream.indirect_vreg.gather [hbm4b:s6+s3], $0x80, v3, vm0, $0xb8;
	[tilespmem:$0x18100] =	vst v63  }
0xa2: {  	v3 =	vld [tilespmem:$0x70];
	_ =	sdelay $0x4  }
0xa3: {  	v55 =	vshrl.u32 v3, $0x3  }
0xa4: {  	v4 =	vmul.u32 $0x30, v55  }
0xa5: {  	v3 =	vand.u32 $0x7, v3  }
0xa6: {  	v3 =	vor.u32 v3, v4  }
0xa7: {  	v4 =	vperm.xlane v3, v0;
	_ =	sdelay $0x1  }
0xa8: {  	v4 =	vadd.s32 v1, v4;
	_ =	sdelay $0x3  }
0xa9: {  	v3 =	vperm.xlane v3, v2  }
0xaa: {  	[tilespmem:s4], [sflag:$0x8] =	stream.indirect_vreg.gather [hbm4b:s2+s3], $0x80, v4, vm0, $0xb8;
	[tilespmem:$0x18100] =	vst v63  }
0xab: {  	s7 =	simm.s32 $0x15900;
	v3 =	vadd.s32 v1, v3  }
0xac: {  	[tilespmem:s7], [sflag:$0x8] =	stream.indirect_vreg.gather [hbm4b:s5+s3], $0x80, v4, vm0, $0xb8;
	[tilespmem:$0x18100] =	vst v63  }
0xad: {  	s14 =	simm.s32 $0x16100  }
0xae: {  	[tilespmem:s14], [sflag:$0x8] =	stream.indirect_vreg.gather [hbm4b:s6+s3], $0x80, v4, vm0, $0xb8;
	[tilespmem:$0x18100] =	vst v63  }
0xaf: {  	s7 =	simm.s32 $0x16900  }
0xb0: {  	[tilespmem:s7], [sflag:$0x8] =	stream.indirect_vreg.gather [hbm4b:s2+s3], $0x80, v3, vm0, $0xb8;
	[tilespmem:$0x18100] =	vst v63  }
0xb1: {  	s14 =	simm.s32 $0x17100  }
0xb2: {  	[tilespmem:s14], [sflag:$0x8] =	stream.indirect_vreg.gather [hbm4b:s5+s3], $0x80, v3, vm0, $0xb8;
	[tilespmem:$0x18100] =	vst v63  }
0xb3: {  	s0 =	simm.s32 $0x1;
	s7 =	simm.s32 $0x17900  }
0xb4: {  	[tilespmem:s7], [sflag:$0x8] =	stream.indirect_vreg.gather [hbm4b:s6+s3], $0x80, v3, vm0, $0xb8;
	[tilespmem:$0x18100] =	vst v63  }
0xb5: {  	_ =	swait.ge [sflag:s0], $0x3000  }
0xb6: {  	[sflag:s0] =	ssyncset.done $0x0  }
0xb7: {  	s7 =	simm.s32 $0x100;
	s14 =	rddreg [dreg:$0x14];
	[sflag:s0] =	ssyncadd.s32 $0xFFFFD000  }
0xb8: {  	[hbm4b:s14+s3] =	stream.linear.scatter [tilespmem:s7], [sflag:$0x9], $0x3000, $0x38;
	[tilespmem:$0x18100] =	vst v63  }
0xb9: {  	_ =	swait.ge [sflag:s1], $0x3000  }
0xba: {  	[sflag:s1] =	ssyncset.done $0x0  }
0xbb: {  	[sflag:s1] =	ssyncadd.s32 $0xFFFFD000  }
0xbc: {  	v3 =	vld [tilespmem:$0x80];
	_ =	sdelay $0x4  }
0xbd: {  	v56 =	vshrl.u32 v3, $0x3  }
0xbe: {  	v4 =	vmul.u32 $0x30, v56  }
0xbf: {  	v3 =	vand.u32 $0x7, v3  }
0xc0: {  	v3 =	vor.u32 v3, v4  }
0xc1: {  	v4 =	vperm.xlane v3, v0;
	_ =	sdelay $0x1  }
0xc2: {  	v4 =	vadd.s32 v1, v4;
	_ =	sdelay $0x3  }
0xc3: {  	v3 =	vperm.xlane v3, v2  }
0xc4: {  	[tilespmem:s7], [sflag:$0x1] =	stream.indirect_vreg.gather [hbm4b:s2+s3], $0x80, v4, vm0, $0xb8;
	[tilespmem:$0x18100] =	vst v63  }
0xc5: {  	v3 =	vadd.s32 v1, v3  }
0xc6: {  	[tilespmem:s8], [sflag:$0x1] =	stream.indirect_vreg.gather [hbm4b:s5+s3], $0x80, v4, vm0, $0xb8;
	[tilespmem:$0x18100] =	vst v63  }
0xc7: {  	_ = 	snop  }
0xc8: {  	[tilespmem:s9], [sflag:$0x1] =	stream.indirect_vreg.gather [hbm4b:s6+s3], $0x80, v4, vm0, $0xb8;
	[tilespmem:$0x18100] =	vst v63  }
0xc9: {  	_ = 	snop  }
0xca: {  	[tilespmem:s21], [sflag:$0x1] =	stream.indirect_vreg.gather [hbm4b:s2+s3], $0x80, v3, vm0, $0xb8;
	[tilespmem:$0x18100] =	vst v63  }
0xcb: {  	_ = 	snop  }
0xcc: {  	[tilespmem:s28], [sflag:$0x1] =	stream.indirect_vreg.gather [hbm4b:s5+s3], $0x80, v3, vm0, $0xb8;
	[tilespmem:$0x18100] =	vst v63  }
0xcd: {  	s8 =	simm.s32 $0x2  }
0xce: {  	[tilespmem:s10], [sflag:$0x1] =	stream.indirect_vreg.gather [hbm4b:s6+s3], $0x80, v3, vm0, $0xb8;
	[tilespmem:$0x18100] =	vst v63  }
0xcf: {  	_ =	swait.ge [sflag:s8], $0x3000  }
0xd0: {  	[sflag:s8] =	ssyncset.done $0x0  }
0xd1: {  	s10 =	simm.s32 $0x3100;
	s9 =	rddreg [dreg:$0x5];
	[sflag:s8] =	ssyncadd.s32 $0xFFFFD000  }
0xd2: {  	[hbm4b:s9+s3] =	stream.linear.scatter [tilespmem:s10], [sflag:$0xA], $0x3000, $0x38;
	[tilespmem:$0x18100] =	vst v63  }
0xd3: {  	s9 =	simm.s32 $0xA  }
0xd4: {  	_ =	swait.ge [sflag:s9], $0x3000  }
0xd5: {  	[sflag:s9] =	ssyncset.done $0x0  }
0xd6: {  	[sflag:s9] =	ssyncadd.s32 $0xFFFFD000  }
0xd7: {  	v3 =	vld [tilespmem:$0x90];
	_ =	sdelay $0x4  }
0xd8: {  	v57 =	vshrl.u32 v3, $0x3  }
0xd9: {  	v4 =	vmul.u32 $0x30, v57  }
0xda: {  	v3 =	vand.u32 $0x7, v3  }
0xdb: {  	v3 =	vor.u32 v3, v4  }
0xdc: {  	v4 =	vperm.xlane v3, v0;
	_ =	sdelay $0x1  }
0xdd: {  	v4 =	vadd.s32 v1, v4;
	_ =	sdelay $0x3  }
0xde: {  	v3 =	vperm.xlane v3, v2  }
0xdf: {  	[tilespmem:s10], [sflag:$0x2] =	stream.indirect_vreg.gather [hbm4b:s2+s3], $0x80, v4, vm0, $0xb8;
	[tilespmem:$0x18100] =	vst v63  }
0xe0: {  	v3 =	vadd.s32 v1, v3  }
0xe1: {  	[tilespmem:s24], [sflag:$0x2] =	stream.indirect_vreg.gather [hbm4b:s5+s3], $0x80, v4, vm0, $0xb8;
	[tilespmem:$0x18100] =	vst v63  }
0xe2: {  	_ = 	snop  }
0xe3: {  	[tilespmem:s12], [sflag:$0x2] =	stream.indirect_vreg.gather [hbm4b:s6+s3], $0x80, v4, vm0, $0xb8;
	[tilespmem:$0x18100] =	vst v63  }
0xe4: {  	_ = 	snop  }
0xe5: {  	[tilespmem:s16], [sflag:$0x2] =	stream.indirect_vreg.gather [hbm4b:s2+s3], $0x80, v3, vm0, $0xb8;
	[tilespmem:$0x18100] =	vst v63  }
0xe6: {  	_ = 	snop  }
0xe7: {  	[tilespmem:s18], [sflag:$0x2] =	stream.indirect_vreg.gather [hbm4b:s5+s3], $0x80, v3, vm0, $0xb8;
	[tilespmem:$0x18100] =	vst v63  }
0xe8: {  	s10 =	simm.s32 $0x3  }
0xe9: {  	[tilespmem:s19], [sflag:$0x2] =	stream.indirect_vreg.gather [hbm4b:s6+s3], $0x80, v3, vm0, $0xb8;
	[tilespmem:$0x18100] =	vst v63  }
0xea: {  	_ =	swait.ge [sflag:s10], $0x3000  }
0xeb: {  	s24 =	simm.s32 $0x6100;
	[sflag:s10] =	ssyncset.done $0x0  }
0xec: {  	s12 =	simm.s32 $0xB;
	s21 =	rddreg [dreg:$0x6];
	[sflag:s10] =	ssyncadd.s32 $0xFFFFD000  }
0xed: {  	[hbm4b:s21+s3] =	stream.linear.scatter [tilespmem:s24], [sflag:$0xB], $0x3000, $0x38;
	[tilespmem:$0x18100] =	vst v63  }
0xee: {  	_ =	swait.ge [sflag:s12], $0x3000  }
0xef: {  	[sflag:s12] =	ssyncset.done $0x0  }
0xf0: {  	[sflag:s12] =	ssyncadd.s32 $0xFFFFD000  }
0xf1: {  	v3 =	vld [tilespmem:$0xA0];
	_ =	sdelay $0x4  }
0xf2: {  	v58 =	vshrl.u32 v3, $0x3  }
0xf3: {  	v4 =	vmul.u32 $0x30, v58  }
0xf4: {  	v3 =	vand.u32 $0x7, v3  }
0xf5: {  	v3 =	vor.u32 v3, v4  }
0xf6: {  	v4 =	vperm.xlane v3, v0;
	_ =	sdelay $0x1  }
0xf7: {  	v4 =	vadd.s32 v1, v4;
	_ =	sdelay $0x3  }
0xf8: {  	v3 =	vperm.xlane v3, v2  }
0xf9: {  	[tilespmem:s24], [sflag:$0x3] =	stream.indirect_vreg.gather [hbm4b:s2+s3], $0x80, v4, vm0, $0xb8;
	[tilespmem:$0x18100] =	vst v63  }
0xfa: {  	v3 =	vadd.s32 v1, v3  }
0xfb: {  	[tilespmem:s20], [sflag:$0x3] =	stream.indirect_vreg.gather [hbm4b:s5+s3], $0x80, v4, vm0, $0xb8;
	[tilespmem:$0x18100] =	vst v63  }
0xfc: {  	_ = 	snop  }
0xfd: {  	[tilespmem:s22], [sflag:$0x3] =	stream.indirect_vreg.gather [hbm4b:s6+s3], $0x80, v4, vm0, $0xb8;
	[tilespmem:$0x18100] =	vst v63  }
0xfe: {  	_ = 	snop  }
0xff: {  	[tilespmem:s23], [sflag:$0x3] =	stream.indirect_vreg.gather [hbm4b:s2+s3], $0x80, v3, vm0, $0xb8;
	[tilespmem:$0x18100] =	vst v63  }
0x100: {  	_ = 	snop  }
0x101: {  	[tilespmem:s25], [sflag:$0x3] =	stream.indirect_vreg.gather [hbm4b:s5+s3], $0x80, v3, vm0, $0xb8;
	[tilespmem:$0x18100] =	vst v63  }
0x102: {  	s16 =	simm.s32 $0x4  }
0x103: {  	[tilespmem:s26], [sflag:$0x3] =	stream.indirect_vreg.gather [hbm4b:s6+s3], $0x80, v3, vm0, $0xb8;
	[tilespmem:$0x18100] =	vst v63  }
0x104: {  	_ =	swait.ge [sflag:s16], $0x3000  }
0x105: {  	s18 =	simm.s32 $0xC;
	[sflag:s16] =	ssyncset.done $0x0  }
0x106: {  	s26 =	simm.s32 $0x9100;
	s25 =	rddreg [dreg:$0x7];
	[sflag:s16] =	ssyncadd.s32 $0xFFFFD000  }
0x107: {  	[hbm4b:s25+s3] =	stream.linear.scatter [tilespmem:s26], [sflag:$0xC], $0x3000, $0x38;
	[tilespmem:$0x18100] =	vst v63  }
0x108: {  	_ =	swait.ge [sflag:s18], $0x3000  }
0x109: {  	[sflag:s18] =	ssyncset.done $0x0  }
0x10a: {  	[sflag:s18] =	ssyncadd.s32 $0xFFFFD000  }
0x10b: {  	v3 =	vld [tilespmem:$0xB0];
	_ =	sdelay $0x4  }
0x10c: {  	v59 =	vshrl.u32 v3, $0x3  }
0x10d: {  	v4 =	vmul.u32 $0x30, v59  }
0x10e: {  	v3 =	vand.u32 $0x7, v3  }
0x10f: {  	v3 =	vor.u32 v3, v4  }
0x110: {  	v4 =	vperm.xlane v3, v0;
	_ =	sdelay $0x1  }
0x111: {  	v4 =	vadd.s32 v1, v4;
	_ =	sdelay $0x3  }
0x112: {  	v3 =	vperm.xlane v3, v2  }
0x113: {  	[tilespmem:s26], [sflag:$0x4] =	stream.indirect_vreg.gather [hbm4b:s2+s3], $0x80, v4, vm0, $0xb8;
	[tilespmem:$0x18100] =	vst v63  }
0x114: {  	v3 =	vadd.s32 v1, v3  }
0x115: {  	[tilespmem:s30], [sflag:$0x4] =	stream.indirect_vreg.gather [hbm4b:s5+s3], $0x80, v4, vm0, $0xb8;
	[tilespmem:$0x18100] =	vst v63  }
0x116: {  	_ = 	snop  }
0x117: {  	[tilespmem:s31], [sflag:$0x4] =	stream.indirect_vreg.gather [hbm4b:s6+s3], $0x80, v4, vm0, $0xb8;
	[tilespmem:$0x18100] =	vst v63  }
0x118: {  	s19 =	simm.s32 $0xA900  }
0x119: {  	[tilespmem:s19], [sflag:$0x4] =	stream.indirect_vreg.gather [hbm4b:s2+s3], $0x80, v3, vm0, $0xb8;
	[tilespmem:$0x18100] =	vst v63  }
0x11a: {  	_ = 	snop  }
0x11b: {  	[tilespmem:s17], [sflag:$0x4] =	stream.indirect_vreg.gather [hbm4b:s5+s3], $0x80, v3, vm0, $0xb8;
	[tilespmem:$0x18100] =	vst v63  }
0x11c: {  	s20 =	simm.s32 $0xB900;
	s17 =	simm.s32 $0x5  }
0x11d: {  	[tilespmem:s20], [sflag:$0x4] =	stream.indirect_vreg.gather [hbm4b:s6+s3], $0x80, v3, vm0, $0xb8;
	[tilespmem:$0x18100] =	vst v63  }
0x11e: {  	_ =	swait.ge [sflag:s17], $0x3000  }
0x11f: {  	[sflag:s17] =	ssyncset.done $0x0  }
0x120: {  	s19 =	simm.s32 $0xD;
	s21 =	rddreg [dreg:$0x8];
	[sflag:s17] =	ssyncadd.s32 $0xFFFFD000  }
0x121: {  	[hbm4b:s21+s3] =	stream.linear.scatter [tilespmem:s15], [sflag:$0xD], $0x3000, $0x38;
	[tilespmem:$0x18100] =	vst v63  }
0x122: {  	_ =	swait.ge [sflag:s19], $0x3000  }
0x123: {  	[sflag:s19] =	ssyncset.done $0x0  }
0x124: {  	[sflag:s19] =	ssyncadd.s32 $0xFFFFD000  }
0x125: {  	v3 =	vld [tilespmem:$0xC0];
	_ =	sdelay $0x4  }
0x126: {  	v60 =	vshrl.u32 v3, $0x3  }
0x127: {  	v4 =	vmul.u32 $0x30, v60  }
0x128: {  	v3 =	vand.u32 $0x7, v3  }
0x129: {  	v3 =	vor.u32 v3, v4  }
0x12a: {  	v4 =	vperm.xlane v3, v0;
	_ =	sdelay $0x1  }
0x12b: {  	v4 =	vadd.s32 v1, v4;
	_ =	sdelay $0x3  }
0x12c: {  	v3 =	vperm.xlane v3, v2  }
0x12d: {  	[tilespmem:s15], [sflag:$0x5] =	stream.indirect_vreg.gather [hbm4b:s2+s3], $0x80, v4, vm0, $0xb8;
	[tilespmem:$0x18100] =	vst v63  }
0x12e: {  	s22 =	simm.s32 $0xC900;
	v3 =	vadd.s32 v1, v3  }
0x12f: {  	[tilespmem:s22], [sflag:$0x5] =	stream.indirect_vreg.gather [hbm4b:s5+s3], $0x80, v4, vm0, $0xb8;
	[tilespmem:$0x18100] =	vst v63  }
0x130: {  	s23 =	simm.s32 $0xD100  }
0x131: {  	[tilespmem:s23], [sflag:$0x5] =	stream.indirect_vreg.gather [hbm4b:s6+s3], $0x80, v4, vm0, $0xb8;
	[tilespmem:$0x18100] =	vst v63  }
0x132: {  	s24 =	simm.s32 $0xD900  }
0x133: {  	[tilespmem:s24], [sflag:$0x5] =	stream.indirect_vreg.gather [hbm4b:s2+s3], $0x80, v3, vm0, $0xb8;
	[tilespmem:$0x18100] =	vst v63  }
0x134: {  	s25 =	simm.s32 $0xE100  }
0x135: {  	[tilespmem:s25], [sflag:$0x5] =	stream.indirect_vreg.gather [hbm4b:s5+s3], $0x80, v3, vm0, $0xb8;
	[tilespmem:$0x18100] =	vst v63  }
0x136: {  	s20 =	simm.s32 $0xE900  }
0x137: {  	[tilespmem:s20], [sflag:$0x5] =	stream.indirect_vreg.gather [hbm4b:s6+s3], $0x80, v3, vm0, $0xb8;
	[tilespmem:$0x18100] =	vst v63  }
0x138: {  	s20 =	simm.s32 $0x6  }
0x139: {  	_ =	swait.ge [sflag:s20], $0x3000  }
0x13a: {  	[sflag:s20] =	ssyncset.done $0x0  }
0x13b: {  	s21 =	rddreg [dreg:$0x9];
	[sflag:s20] =	ssyncadd.s32 $0xFFFFD000  }
0x13c: {  	[hbm4b:s21+s3] =	stream.linear.scatter [tilespmem:s13], [sflag:$0xE], $0x3000, $0x38;
	[tilespmem:$0x18100] =	vst v63  }
0x13d: {  	s21 =	simm.s32 $0xE  }
0x13e: {  	_ =	swait.ge [sflag:s21], $0x3000  }
0x13f: {  	[sflag:s21] =	ssyncset.done $0x0  }
0x140: {  	[sflag:s21] =	ssyncadd.s32 $0xFFFFD000  }
0x141: {  	v3 =	vld [tilespmem:$0xD0];
	_ =	sdelay $0x4  }
0x142: {  	v61 =	vshrl.u32 v3, $0x3  }
0x143: {  	v4 =	vmul.u32 $0x30, v61  }
0x144: {  	v3 =	vand.u32 $0x7, v3  }
0x145: {  	v3 =	vor.u32 v3, v4  }
0x146: {  	v4 =	vperm.xlane v3, v0;
	_ =	sdelay $0x1  }
0x147: {  	v4 =	vadd.s32 v1, v4;
	_ =	sdelay $0x3  }
0x148: {  	v3 =	vperm.xlane v3, v2  }
0x149: {  	[tilespmem:s13], [sflag:$0x6] =	stream.indirect_vreg.gather [hbm4b:s2+s3], $0x80, v4, vm0, $0xb8;
	[tilespmem:$0x18100] =	vst v63  }
0x14a: {  	s22 =	simm.s32 $0xF900;
	v3 =	vadd.s32 v1, v3  }
0x14b: {  	[tilespmem:s22], [sflag:$0x6] =	stream.indirect_vreg.gather [hbm4b:s5+s3], $0x80, v4, vm0, $0xb8;
	[tilespmem:$0x18100] =	vst v63  }
0x14c: {  	s23 =	simm.s32 $0x10100  }
0x14d: {  	[tilespmem:s23], [sflag:$0x6] =	stream.indirect_vreg.gather [hbm4b:s6+s3], $0x80, v4, vm0, $0xb8;
	[tilespmem:$0x18100] =	vst v63  }
0x14e: {  	s24 =	simm.s32 $0x10900  }
0x14f: {  	[tilespmem:s24], [sflag:$0x6] =	stream.indirect_vreg.gather [hbm4b:s2+s3], $0x80, v3, vm0, $0xb8;
	[tilespmem:$0x18100] =	vst v63  }
0x150: {  	s25 =	simm.s32 $0x11100  }
0x151: {  	[tilespmem:s25], [sflag:$0x6] =	stream.indirect_vreg.gather [hbm4b:s5+s3], $0x80, v3, vm0, $0xb8;
	[tilespmem:$0x18100] =	vst v63  }
0x152: {  	s22 =	simm.s32 $0x11900  }
0x153: {  	[tilespmem:s22], [sflag:$0x6] =	stream.indirect_vreg.gather [hbm4b:s6+s3], $0x80, v3, vm0, $0xb8;
	[tilespmem:$0x18100] =	vst v63  }
0x154: {  	s22 =	simm.s32 $0x7  }
0x155: {  	_ =	swait.ge [sflag:s22], $0x3000  }
0x156: {  	[sflag:s22] =	ssyncset.done $0x0  }
0x157: {  	s23 =	rddreg [dreg:$0xa];
	[sflag:s22] =	ssyncadd.s32 $0xFFFFD000  }
0x158: {  	[hbm4b:s23+s3] =	stream.linear.scatter [tilespmem:s11], [sflag:$0xF], $0x3000, $0x38;
	[tilespmem:$0x18100] =	vst v63  }
0x159: {  	s23 =	simm.s32 $0xF  }
0x15a: {  	_ =	swait.ge [sflag:s23], $0x3000  }
0x15b: {  	[sflag:s23] =	ssyncset.done $0x0  }
0x15c: {  	[sflag:s23] =	ssyncadd.s32 $0xFFFFD000  }
0x15d: {  	v3 =	vld [tilespmem:$0xE0];
	_ =	sdelay $0x4  }
0x15e: {  	v62 =	vshrl.u32 v3, $0x3  }
0x15f: {  	v4 =	vmul.u32 $0x30, v62  }
0x160: {  	v3 =	vand.u32 $0x7, v3  }
0x161: {  	v3 =	vor.u32 v3, v4  }
0x162: {  	v4 =	vperm.xlane v3, v0;
	_ =	sdelay $0x1  }
0x163: {  	v4 =	vadd.s32 v1, v4;
	_ =	sdelay $0x3  }
0x164: {  	v3 =	vperm.xlane v3, v2  }
0x165: {  	[tilespmem:s11], [sflag:$0x7] =	stream.indirect_vreg.gather [hbm4b:s2+s3], $0x80, v4, vm0, $0xb8;
	[tilespmem:$0x18100] =	vst v63  }
0x166: {  	s24 =	simm.s32 $0x12900;
	v3 =	vadd.s32 v1, v3  }
0x167: {  	[tilespmem:s24], [sflag:$0x7] =	stream.indirect_vreg.gather [hbm4b:s5+s3], $0x80, v4, vm0, $0xb8;
	[tilespmem:$0x18100] =	vst v63  }
0x168: {  	s25 =	simm.s32 $0x13100  }
0x169: {  	[tilespmem:s25], [sflag:$0x7] =	stream.indirect_vreg.gather [hbm4b:s6+s3], $0x80, v4, vm0, $0xb8;
	[tilespmem:$0x18100] =	vst v63  }
0x16a: {  	s24 =	simm.s32 $0x13900  }
0x16b: {  	[tilespmem:s24], [sflag:$0x7] =	stream.indirect_vreg.gather [hbm4b:s2+s3], $0x80, v3, vm0, $0xb8;
	[tilespmem:$0x18100] =	vst v63  }
0x16c: {  	s25 =	simm.s32 $0x14100  }
0x16d: {  	[tilespmem:s25], [sflag:$0x7] =	stream.indirect_vreg.gather [hbm4b:s5+s3], $0x80, v3, vm0, $0xb8;
	[tilespmem:$0x18100] =	vst v63  }
0x16e: {  	s24 =	simm.s32 $0x14900  }
0x16f: {  	[tilespmem:s24], [sflag:$0x7] =	stream.indirect_vreg.gather [hbm4b:s6+s3], $0x80, v3, vm0, $0xb8;
	[tilespmem:$0x18100] =	vst v63  }
0x170: {  	s24 =	simm.s32 $0x8  }
0x171: {  	_ =	swait.ge [sflag:s24], $0x3000  }
0x172: {  	[sflag:s24] =	ssyncset.done $0x0  }
0x173: {  	s25 =	rddreg [dreg:$0xb];
	[sflag:s24] =	ssyncadd.s32 $0xFFFFD000  }
0x174: {  	[hbm4b:s25+s3] =	stream.linear.scatter [tilespmem:s4], [sflag:$0x10], $0x3000, $0x38;
	[tilespmem:$0x18100] =	vst v63  }
0x175: {  	s25 =	simm.s32 $0x10  }
0x176: {  	_ =	swait.ge [sflag:s25], $0x3000  }
0x177: {  	[sflag:s25] =	ssyncset.done $0x0  }
0x178: {  	[sflag:s25] =	ssyncadd.s32 $0xFFFFD000  }
0x179: {  	v3 =	vld [tilespmem:$0xF0];
	_ =	sdelay $0x4  }
0x17a: {  	v63 =	vshrl.u32 v3, $0x3  }
0x17b: {  	v4 =	vmul.u32 $0x30, v63  }
0x17c: {  	v3 =	vand.u32 $0x7, v3  }
0x17d: {  	v3 =	vor.u32 v3, v4  }
0x17e: {  	v4 =	vperm.xlane v3, v0;
	_ =	sdelay $0x1  }
0x17f: {  	v4 =	vadd.s32 v1, v4;
	_ =	sdelay $0x3  }
0x180: {  	v3 =	vperm.xlane v3, v2  }
0x181: {  	[tilespmem:s4], [sflag:$0x8] =	stream.indirect_vreg.gather [hbm4b:s2+s3], $0x80, v4, vm0, $0xb8;
	[tilespmem:$0x18100] =	vst v63  }
0x182: {  	s14 =	simm.s32 $0x15900;
	v3 =	vadd.s32 v1, v3  }
0x183: {  	[tilespmem:s14], [sflag:$0x8] =	stream.indirect_vreg.gather [hbm4b:s5+s3], $0x80, v4, vm0, $0xb8;
	[tilespmem:$0x18100] =	vst v63  }
0x184: {  	s14 =	simm.s32 $0x16100  }
0x185: {  	[tilespmem:s14], [sflag:$0x8] =	stream.indirect_vreg.gather [hbm4b:s6+s3], $0x80, v4, vm0, $0xb8;
	[tilespmem:$0x18100] =	vst v63  }
0x186: {  	s14 =	simm.s32 $0x16900  }
0x187: {  	[tilespmem:s14], [sflag:$0x8] =	stream.indirect_vreg.gather [hbm4b:s2+s3], $0x80, v3, vm0, $0xb8;
	[tilespmem:$0x18100] =	vst v63  }
0x188: {  	s14 =	simm.s32 $0x17100  }
0x189: {  	[tilespmem:s14], [sflag:$0x8] =	stream.indirect_vreg.gather [hbm4b:s5+s3], $0x80, v3, vm0, $0xb8;
	[tilespmem:$0x18100] =	vst v63  }
0x18a: {  	s14 =	simm.s32 $0x17900  }
0x18b: {  	[tilespmem:s14], [sflag:$0x8] =	stream.indirect_vreg.gather [hbm4b:s6+s3], $0x80, v3, vm0, $0xb8;
	[tilespmem:$0x18100] =	vst v63  }
0x18c: {  	_ =	swait.ge [sflag:s0], $0x3000  }
0x18d: {  	[sflag:s0] =	ssyncset.done $0x0  }
0x18e: {  	s14 =	rddreg [dreg:$0xc];
	[sflag:s0] =	ssyncadd.s32 $0xFFFFD000;
	s0 =	simm.s32 $0x100  }
0x18f: {  	[hbm4b:s14+s3] =	stream.linear.scatter [tilespmem:s0], [sflag:$0x9], $0x3000, $0x38;
	[tilespmem:$0x18100] =	vst v63  }
0x190: {  	_ =	swait.ge [sflag:s8], $0x3000  }
0x191: {  	[sflag:s8] =	ssyncset.done $0x0  }
0x192: {  	s7 =	simm.s32 $0x3100;
	s0 =	rddreg [dreg:$0xd];
	[sflag:s8] =	ssyncadd.s32 $0xFFFFD000  }
0x193: {  	[hbm4b:s0+s3] =	stream.linear.scatter [tilespmem:s7], [sflag:$0xA], $0x3000, $0x38;
	[tilespmem:$0x18100] =	vst v63  }
0x194: {  	_ =	swait.ge [sflag:s10], $0x3000  }
0x195: {  	[sflag:s10] =	ssyncset.done $0x0  }
0x196: {  	s28 =	simm.s32 $0x6100;
	s8 =	rddreg [dreg:$0xe];
	[sflag:s10] =	ssyncadd.s32 $0xFFFFD000  }
0x197: {  	[hbm4b:s8+s3] =	stream.linear.scatter [tilespmem:s28], [sflag:$0xB], $0x3000, $0x38;
	[tilespmem:$0x18100] =	vst v63  }
0x198: {  	_ =	swait.ge [sflag:s16], $0x3000  }
0x199: {  	[sflag:s16] =	ssyncset.done $0x0  }
0x19a: {  	s26 =	simm.s32 $0x9100;
	s10 =	rddreg [dreg:$0xf];
	[sflag:s16] =	ssyncadd.s32 $0xFFFFD000  }
0x19b: {  	[hbm4b:s10+s3] =	stream.linear.scatter [tilespmem:s26], [sflag:$0xC], $0x3000, $0x38;
	[tilespmem:$0x18100] =	vst v63  }
0x19c: {  	_ =	swait.ge [sflag:s17], $0x3000  }
0x19d: {  	[sflag:s17] =	ssyncset.done $0x0  }
0x19e: {  	s16 =	rddreg [dreg:$0x10];
	[sflag:s17] =	ssyncadd.s32 $0xFFFFD000  }
0x19f: {  	[hbm4b:s16+s3] =	stream.linear.scatter [tilespmem:s15], [sflag:$0xD], $0x3000, $0x38;
	[tilespmem:$0x18100] =	vst v63  }
0x1a0: {  	_ =	swait.ge [sflag:s20], $0x3000  }
0x1a1: {  	[sflag:s20] =	ssyncset.done $0x0  }
0x1a2: {  	s17 =	rddreg [dreg:$0x11];
	[sflag:s20] =	ssyncadd.s32 $0xFFFFD000  }
0x1a3: {  	[hbm4b:s17+s3] =	stream.linear.scatter [tilespmem:s13], [sflag:$0xE], $0x3000, $0x38;
	[tilespmem:$0x18100] =	vst v63  }
0x1a4: {  	_ =	swait.ge [sflag:s22], $0x3000  }
0x1a5: {  	[sflag:s22] =	ssyncset.done $0x0  }
0x1a6: {  	s26 =	rddreg [dreg:$0x12];
	[sflag:s22] =	ssyncadd.s32 $0xFFFFD000  }
0x1a7: {  	[hbm4b:s26+s3] =	stream.linear.scatter [tilespmem:s11], [sflag:$0xF], $0x3000, $0x38;
	[tilespmem:$0x18100] =	vst v63  }
0x1a8: {  	_ =	swait.ge [sflag:s24], $0x3000  }
0x1a9: {  	[sflag:s24] =	ssyncset.done $0x0  }
0x1aa: {  	s28 =	rddreg [dreg:$0x13];
	[sflag:s24] =	ssyncadd.s32 $0xFFFFD000  }
0x1ab: {  	[hbm4b:s28+s3] =	stream.linear.scatter [tilespmem:s4], [sflag:$0x10], $0x3000, $0x38;
	[tilespmem:$0x18100] =	vst v63  }
0x1ac: {  	_ =	swait.ge [sflag:s1], $0x3000  }
0x1ad: {  	[sflag:s1] =	ssyncset.done $0x0  }
0x1ae: {  	[sflag:s1] =	ssyncadd.s32 $0xFFFFD000  }
0x1af: {  	_ =	swait.ge [sflag:s9], $0x3000  }
0x1b0: {  	[sflag:s9] =	ssyncset.done $0x0  }
0x1b1: {  	[sflag:s9] =	ssyncadd.s32 $0xFFFFD000  }
0x1b2: {  	_ =	swait.ge [sflag:s12], $0x3000  }
0x1b3: {  	[sflag:s12] =	ssyncset.done $0x0  }
0x1b4: {  	[sflag:s12] =	ssyncadd.s32 $0xFFFFD000  }
0x1b5: {  	_ =	swait.ge [sflag:s18], $0x3000  }
0x1b6: {  	[sflag:s18] =	ssyncset.done $0x0  }
0x1b7: {  	[sflag:s18] =	ssyncadd.s32 $0xFFFFD000  }
0x1b8: {  	_ =	swait.ge [sflag:s19], $0x3000  }
0x1b9: {  	[sflag:s19] =	ssyncset.done $0x0  }
0x1ba: {  	[sflag:s19] =	ssyncadd.s32 $0xFFFFD000  }
0x1bb: {  	_ =	swait.ge [sflag:s21], $0x3000  }
0x1bc: {  	[sflag:s21] =	ssyncset.done $0x0  }
0x1bd: {  	[sflag:s21] =	ssyncadd.s32 $0xFFFFD000  }
0x1be: {  	p0 =	sne.s32 s29, $0x1;
	_ =	swait.ge [sflag:s23], $0x3000  }
.Ltmp0:
0x1bf: {  	[sflag:s23] =	ssyncset.done $0x0;
	(pc) =	sbr.rel @p0 .LBB2_1-.Ltmp0, $4  }
0x1c0: {  	[sflag:s23] =	ssyncadd.s32 $0xFFFFD000  }
0x1c1: {  	_ =	swait.ge [sflag:s25], $0x3000  }
0x1c2: {  	[sflag:s25] =	ssyncset.done $0x0  }
0x1c3: {  	s29 =	sadd.s32 $0xFFFFFFFF, s29;
	[sflag:s25] =	ssyncadd.s32 $0xFFFFD000  }
0x1c4: {  	_ =	sfence.sel $0x180000  }
0x1c5: {  	[bflag:$0x0] =	sbarrier.arrive $0xFFFF  }
0x1c6: {  	_ =	strace $0x90000047  }
0x1c7: {  	s0 =	stileid.u32;
	[bflag:$0x2] =	sbarrier.arrive $0xFFFF  }
0x1c8: {  	p0 =	sne.s32 s0, $0x0;
	s0 =	rddreg [dreg:$0x3]  }
0x1c9: {  	s0 =	sadd.s32 @!p0 $0x100000, s0  }
0x1ca: {  	[sflag:s0] =	ssyncadd.tile.s32 @!p0 $0x1;
	_ =	shalt  }
.Lfunc_end2:
_tile_overlayer_lowered:
.L_overlay_start_2:
0x1cb: {  	(tag) =	ssettag $0x2  }
0x1cc: {  	s0 =	rddreg [dreg:$0x0];
	s2 =	stileid.u32  }
0x1cd: {  	s1 =	rddreg [dreg:$0x1];
	p0 =	sne.s32 s2, $0x0  }
0x1ce: {  	s3 =	rddreg [dreg:$0x2];
	[bflag:$0x3] =	sbarrier.arrive $0xFFFF;
	s2 =	simm.s32 @!p0 $0x1C11  }
0x1cf: {  	[timem:s3], [sflag:s2] =	dma.local @!p0 [hbm:s0], s1  }
0x1d0: {  	s0 =	simm.s32 @!p0 $0x11  }
0x1d1: {  	_ =	swait.ge @!p0 [sflag:s0], s1  }
0x1d2: {  	s1 =	ssub.s32 @!p0 $0x0, s1;
	[sflag:s0] =	ssyncset.done @!p0 $0x0  }
0x1d3: {  	[sflag:s0] =	ssyncadd.s32 @!p0 s1  }
0x1d4: {  	[bflag:$0x3] =	sbarrier.arrive $0xFFFF  }
0x1d5: {  	_ =	shalt  }

</sc_bundles>
